<compile_context>
chip_gen: v7x
topology: tpu7x:2x2x1
jax: 0.10.2.dev20260603
libtpu: 0.0.44.dev20260713+nightly
codegen_flags: <defaults>
</compile_context>

<pallas_src>
import functools

import jax
import jax.numpy as jnp
from jax import lax
from jax.experimental import pallas as pl
from jax.experimental.pallas import tpu as pltpu
from jax.experimental.pallas import tpu_sc as plsc

BATCH = 16384
EMBED_K = 32
NC = 2
NS = 16
NW = NC * NS
BPW = BATCH // NW
IDX_MINOR = 128
NGRP = BPW // IDX_MINOR


def _mf_body(uidx_hbm, iidx_hbm, user_table, item_table,
             out_hbm, uemb_hbm, iemb_hbm,
             uidx_v, iidx_v, urows_v, irows_v, out_v, sem):
    wid = lax.axis_index("s") * NC + lax.axis_index("c")
    base = wid * BPW

    pltpu.sync_copy(uidx_hbm.at[wid], uidx_v)
    pltpu.sync_copy(iidx_hbm.at[wid], iidx_v)

    copies = []
    for j in range(NGRP):
        copies.append(pltpu.async_copy(
            user_table.at[uidx_v.at[j]],
            urows_v.at[pl.ds(j * IDX_MINOR, IDX_MINOR)], sem))
        copies.append(pltpu.async_copy(
            item_table.at[iidx_v.at[j]],
            irows_v.at[pl.ds(j * IDX_MINOR, IDX_MINOR)], sem))
    for c in copies:
        c.wait()

    last_lane = lax.iota(jnp.int32, 16) == 15

    def dot_row(i, carry):
        u0 = urows_v[i, pl.ds(0, 16)]
        u1 = urows_v[i, pl.ds(16, 16)]
        v0 = irows_v[i, pl.ds(0, 16)]
        v1 = irows_v[i, pl.ds(16, 16)]
        w = u0 * v0 + u1 * v1
        s = plsc.cumsum(w)
        plsc.store_scatter(out_v, [jnp.full((16,), i, jnp.int32)], s,
                           mask=last_lane)
        return carry

    lax.fori_loop(0, BPW, dot_row, 0, unroll=8)

    pltpu.sync_copy(urows_v, uemb_hbm.at[pl.ds(base, BPW)])
    pltpu.sync_copy(irows_v, iemb_hbm.at[pl.ds(base, BPW)])
    pltpu.sync_copy(out_v, out_hbm.at[pl.ds(base, BPW)])


@functools.partial(jax.jit, static_argnames=())
def _mf(uidx, iidx, user_table, item_table):
    kern = pl.kernel(
        _mf_body,
        out_type=[
            jax.ShapeDtypeStruct((BATCH,), jnp.float32),
            jax.ShapeDtypeStruct((BATCH, EMBED_K), jnp.float32),
            jax.ShapeDtypeStruct((BATCH, EMBED_K), jnp.float32),
        ],
        mesh=plsc.VectorSubcoreMesh(core_axis_name="c", subcore_axis_name="s"),
        scratch_types=[
            pltpu.VMEM((NGRP, IDX_MINOR), jnp.int32),
            pltpu.VMEM((NGRP, IDX_MINOR), jnp.int32),
            pltpu.VMEM((BPW, EMBED_K), jnp.float32),
            pltpu.VMEM((BPW, EMBED_K), jnp.float32),
            pltpu.VMEM((BPW,), jnp.float32),
            pltpu.SemaphoreType.DMA,
        ],
        compiler_params=pltpu.CompilerParams(
            needs_layout_passes=False, use_tc_tiling_on_sc=False),
    )
    return kern(uidx, iidx, user_table, item_table)


def kernel(x, user_table, item_table):
    xi = x.astype(jnp.int32)
    uidx = xi[:, 0].reshape(NW, NGRP, IDX_MINOR)
    iidx = xi[:, 1].reshape(NW, NGRP, IDX_MINOR)
    out, uemb, iemb = _mf(uidx, iidx, user_table, item_table)
    return (out[:, None], uemb, iemb)

# --- scband reference (transcript-rebuilt; emitter-appended) ---
"""Pipeline reference for scband-mf-2911987826847 (READ-ONLY COPY).

The authoritative reference and input builder live on the scoring server;
editing this copy changes nothing except your own understanding.
"""

import jax, jax.numpy as jnp
import numpy as np

NUM_USERS = 1000000
NUM_ITEMS = 1000000
EMBED_K = 32
BATCH = 16384


def setup_inputs(seed: int = 0) -> dict:
    key = jax.random.key(seed)
    k1, k2, k3 = jax.random.split(key, 3)
    x = jax.random.randint(k1, (BATCH, 2), 0, NUM_USERS, dtype=jnp.int64)
    user_table = jax.random.normal(k2, (NUM_USERS, EMBED_K), dtype=jnp.float32) * 0.02
    item_table = jax.random.normal(k3, (NUM_ITEMS, EMBED_K), dtype=jnp.float32) * 0.02
    return {"x": x, "user_table": user_table, "item_table": item_table}


def reference(x, user_table, item_table):
    user_idx = x[:, 0]
    item_idx = x[:, 1]
    user_embed = jnp.take(user_table, user_idx, axis=0)
    item_embed = jnp.take(item_table, item_idx, axis=0)
    out = jnp.sum(user_embed * item_embed, axis=1)[:, None]
    return (out, user_embed, item_embed)

if __name__ == "__main__":
    import jax
    _d = setup_inputs()
    print(jax.jit(kernel)(*tuple(_d.values())))

</pallas_src>

<mosaic_0001>
#map = affine_map<(d0, d1) -> (0, 0, 0)>
#map1 = affine_map<(d0, d1) -> (0, 0)>
#map2 = affine_map<(d0, d1) -> (0)>
module attributes {stable_mosaic.version = 14 : i64} {
  func.func @_mf_body(%arg0: i32, %arg1: i32, %arg2: memref<32x4x128xi32, #tpu.memory_space<hbm>>, %arg3: memref<32x4x128xi32, #tpu.memory_space<hbm>>, %arg4: memref<1000000x32xf32, #tpu.memory_space<hbm>>, %arg5: memref<1000000x32xf32, #tpu.memory_space<hbm>>, %arg6: memref<16384xf32, #tpu.memory_space<hbm>>, %arg7: memref<16384x32xf32, #tpu.memory_space<hbm>>, %arg8: memref<16384x32xf32, #tpu.memory_space<hbm>>, %arg9: memref<4x128xi32, #tpu.memory_space<vmem>>, %arg10: memref<4x128xi32, #tpu.memory_space<vmem>>, %arg11: memref<512x32xf32, #tpu.memory_space<vmem>>, %arg12: memref<512x32xf32, #tpu.memory_space<vmem>>, %arg13: memref<512xf32, #tpu.memory_space<vmem>>, %arg14: memref<!tpu.dma_semaphore, #tpu.memory_space<semaphore_mem>>) attributes {dimension_semantics = [#tpu.dimension_semantics<core_parallel>, #tpu.dimension_semantics<subcore_parallel>], iteration_bounds = array<i64: 2, 16>, scalar_prefetch = 0 : i64, scratch_operands = 6 : i64, tpu.core_type = #tpu.core_type<sc_vector_subcore>, window_params = [{transform_indices = #map}, {transform_indices = #map}, {transform_indices = #map1}, {transform_indices = #map1}, {transform_indices = #map2}, {transform_indices = #map1}, {transform_indices = #map1}]} {
    %mul3A = arith.constant 2 : i32
    %mul3A_0 = arith.muli %arg1, %mul3A : i32
    %add3A = arith.addi %mul3A_0, %arg0 : i32
    %mul3A_1 = arith.constant 512 : i32
    %mul3A_2 = arith.muli %add3A, %mul3A_1 : i32
    "tpu.region"() ({
      %run_scoped3A = tpu.sem_alloc : memref<!tpu.dma_semaphore, #tpu.memory_space<semaphore_mem>>
      %dma_start3A_168 = arith.constant 0 : i32
      %dma_start3A_169 = arith.constant 0 : i32
      %dma_start3A_170 = tpu.memref_slice %arg2[%add3A, %dma_start3A_168, %dma_start3A_169] : memref<32x4x128xi32, #tpu.memory_space<hbm>> -> memref<1x4x128xi32, #tpu.memory_space<hbm>>
      %dma_start3A_171 = tpu.memref_squeeze %dma_start3A_170 : memref<1x4x128xi32, #tpu.memory_space<hbm>> -> memref<4x128xi32, #tpu.memory_space<hbm>>
      %dma_start3A_172 = arith.constant 0 : i32
      %dma_start3A_173 = arith.constant 0 : i32
      %dma_start3A_174 = tpu.memref_slice %arg2[%add3A, %dma_start3A_172, %dma_start3A_173] : memref<32x4x128xi32, #tpu.memory_space<hbm>> -> memref<1x4x128xi32, #tpu.memory_space<hbm>>
      %dma_start3A_175 = tpu.memref_squeeze %dma_start3A_174 : memref<1x4x128xi32, #tpu.memory_space<hbm>> -> memref<4x128xi32, #tpu.memory_space<hbm>>
      tpu.enqueue_dma source(%dma_start3A_175 : memref<4x128xi32, #tpu.memory_space<hbm>>) target(%arg9 : memref<4x128xi32, #tpu.memory_space<vmem>>) target_semaphore(%run_scoped3A : memref<!tpu.dma_semaphore, #tpu.memory_space<semaphore_mem>>)
      %dma_wait3A_176 = arith.constant 0 : i32
      %dma_wait3A_177 = arith.constant 0 : i32
      %dma_wait3A_178 = tpu.memref_slice %arg2[%add3A, %dma_wait3A_176, %dma_wait3A_177] : memref<32x4x128xi32, #tpu.memory_space<hbm>> -> memref<1x4x128xi32, #tpu.memory_space<hbm>>
      %dma_wait3A_179 = tpu.memref_squeeze %dma_wait3A_178 : memref<1x4x128xi32, #tpu.memory_space<hbm>> -> memref<4x128xi32, #tpu.memory_space<hbm>>
      %dma_wait3A_180 = arith.constant 0 : i32
      %dma_wait3A_181 = arith.constant 0 : i32
      %dma_wait3A_182 = tpu.memref_slice %arg2[%add3A, %dma_wait3A_180, %dma_wait3A_181] : memref<32x4x128xi32, #tpu.memory_space<hbm>> -> memref<1x4x128xi32, #tpu.memory_space<hbm>>
      %dma_wait3A_183 = tpu.memref_squeeze %dma_wait3A_182 : memref<1x4x128xi32, #tpu.memory_space<hbm>> -> memref<4x128xi32, #tpu.memory_space<hbm>>
      tpu.wait_dma2 semaphore(%run_scoped3A : memref<!tpu.dma_semaphore, #tpu.memory_space<semaphore_mem>>) src(%dma_wait3A_183 : memref<4x128xi32, #tpu.memory_space<hbm>>) dst(%arg9 : memref<4x128xi32, #tpu.memory_space<vmem>>)
      tpu.yield
    }) : () -> ()
    "tpu.region"() ({
      %run_scoped3A = tpu.sem_alloc : memref<!tpu.dma_semaphore, #tpu.memory_space<semaphore_mem>>
      %dma_start3A_168 = arith.constant 0 : i32
      %dma_start3A_169 = arith.constant 0 : i32
      %dma_start3A_170 = tpu.memref_slice %arg3[%add3A, %dma_start3A_168, %dma_start3A_169] : memref<32x4x128xi32, #tpu.memory_space<hbm>> -> memref<1x4x128xi32, #tpu.memory_space<hbm>>
      %dma_start3A_171 = tpu.memref_squeeze %dma_start3A_170 : memref<1x4x128xi32, #tpu.memory_space<hbm>> -> memref<4x128xi32, #tpu.memory_space<hbm>>
      %dma_start3A_172 = arith.constant 0 : i32
      %dma_start3A_173 = arith.constant 0 : i32
      %dma_start3A_174 = tpu.memref_slice %arg3[%add3A, %dma_start3A_172, %dma_start3A_173] : memref<32x4x128xi32, #tpu.memory_space<hbm>> -> memref<1x4x128xi32, #tpu.memory_space<hbm>>
      %dma_start3A_175 = tpu.memref_squeeze %dma_start3A_174 : memref<1x4x128xi32, #tpu.memory_space<hbm>> -> memref<4x128xi32, #tpu.memory_space<hbm>>
      tpu.enqueue_dma source(%dma_start3A_175 : memref<4x128xi32, #tpu.memory_space<hbm>>) target(%arg10 : memref<4x128xi32, #tpu.memory_space<vmem>>) target_semaphore(%run_scoped3A : memref<!tpu.dma_semaphore, #tpu.memory_space<semaphore_mem>>)
      %dma_wait3A_176 = arith.constant 0 : i32
      %dma_wait3A_177 = arith.constant 0 : i32
      %dma_wait3A_178 = tpu.memref_slice %arg3[%add3A, %dma_wait3A_176, %dma_wait3A_177] : memref<32x4x128xi32, #tpu.memory_space<hbm>> -> memref<1x4x128xi32, #tpu.memory_space<hbm>>
      %dma_wait3A_179 = tpu.memref_squeeze %dma_wait3A_178 : memref<1x4x128xi32, #tpu.memory_space<hbm>> -> memref<4x128xi32, #tpu.memory_space<hbm>>
      %dma_wait3A_180 = arith.constant 0 : i32
      %dma_wait3A_181 = arith.constant 0 : i32
      %dma_wait3A_182 = tpu.memref_slice %arg3[%add3A, %dma_wait3A_180, %dma_wait3A_181] : memref<32x4x128xi32, #tpu.memory_space<hbm>> -> memref<1x4x128xi32, #tpu.memory_space<hbm>>
      %dma_wait3A_183 = tpu.memref_squeeze %dma_wait3A_182 : memref<1x4x128xi32, #tpu.memory_space<hbm>> -> memref<4x128xi32, #tpu.memory_space<hbm>>
      tpu.wait_dma2 semaphore(%run_scoped3A : memref<!tpu.dma_semaphore, #tpu.memory_space<semaphore_mem>>) src(%dma_wait3A_183 : memref<4x128xi32, #tpu.memory_space<hbm>>) dst(%arg10 : memref<4x128xi32, #tpu.memory_space<vmem>>)
      tpu.yield
    }) : () -> ()
    %dma_start3A = arith.constant 0 : i32
    %dma_start3A_3 = arith.constant 0 : i32
    %dma_start3A_4 = arith.constant 0 : i32
    %dma_start3A_5 = tpu.memref_slice %arg11[%dma_start3A_3, %dma_start3A_4] : memref<512x32xf32, #tpu.memory_space<vmem>> -> memref<128x32xf32, #tpu.memory_space<vmem>>
    %dma_start3A_6 = arith.constant 0 : i32
    %dma_start3A_7 = tpu.memref_slice %arg9[%dma_start3A, %dma_start3A_6] : memref<4x128xi32, #tpu.memory_space<vmem>> -> memref<1x128xi32, #tpu.memory_space<vmem>>
    %dma_start3A_8 = tpu.memref_squeeze %dma_start3A_7 : memref<1x128xi32, #tpu.memory_space<vmem>> -> memref<128xi32, #tpu.memory_space<vmem>>
    %dma_start3A_9 = arith.constant 0 : i32
    %dma_start3A_10 = arith.constant 0 : i32
    %dma_start3A_11 = tpu.memref_slice %arg4[%dma_start3A_9, %dma_start3A_10] : memref<1000000x32xf32, #tpu.memory_space<hbm>> -> memref<1000000x32xf32, #tpu.memory_space<hbm>>
    tpu.enqueue_indirect_dma source(%dma_start3A_11 : memref<1000000x32xf32, #tpu.memory_space<hbm>>) target(%dma_start3A_5 : memref<128x32xf32, #tpu.memory_space<vmem>>) offsets(%dma_start3A_8 : memref<128xi32, #tpu.memory_space<vmem>>) semaphore(%arg14 : memref<!tpu.dma_semaphore, #tpu.memory_space<semaphore_mem>>)
    %dma_start3A_12 = arith.constant 0 : i32
    %dma_start3A_13 = arith.constant 0 : i32
    %dma_start3A_14 = arith.constant 0 : i32
    %dma_start3A_15 = tpu.memref_slice %arg12[%dma_start3A_13, %dma_start3A_14] : memref<512x32xf32, #tpu.memory_space<vmem>> -> memref<128x32xf32, #tpu.memory_space<vmem>>
    %dma_start3A_16 = arith.constant 0 : i32
    %dma_start3A_17 = tpu.memref_slice %arg10[%dma_start3A_12, %dma_start3A_16] : memref<4x128xi32, #tpu.memory_space<vmem>> -> memref<1x128xi32, #tpu.memory_space<vmem>>
    %dma_start3A_18 = tpu.memref_squeeze %dma_start3A_17 : memref<1x128xi32, #tpu.memory_space<vmem>> -> memref<128xi32, #tpu.memory_space<vmem>>
    %dma_start3A_19 = arith.constant 0 : i32
    %dma_start3A_20 = arith.constant 0 : i32
    %dma_start3A_21 = tpu.memref_slice %arg5[%dma_start3A_19, %dma_start3A_20] : memref<1000000x32xf32, #tpu.memory_space<hbm>> -> memref<1000000x32xf32, #tpu.memory_space<hbm>>
    tpu.enqueue_indirect_dma source(%dma_start3A_21 : memref<1000000x32xf32, #tpu.memory_space<hbm>>) target(%dma_start3A_15 : memref<128x32xf32, #tpu.memory_space<vmem>>) offsets(%dma_start3A_18 : memref<128xi32, #tpu.memory_space<vmem>>) semaphore(%arg14 : memref<!tpu.dma_semaphore, #tpu.memory_space<semaphore_mem>>)
    %dma_start3A_22 = arith.constant 1 : i32
    %dma_start3A_23 = arith.constant 128 : i32
    %dma_start3A_24 = arith.constant 0 : i32
    %dma_start3A_25 = tpu.memref_slice %arg11[%dma_start3A_23, %dma_start3A_24] : memref<512x32xf32, #tpu.memory_space<vmem>> -> memref<128x32xf32, #tpu.memory_space<vmem>>
    %dma_start3A_26 = arith.constant 0 : i32
    %dma_start3A_27 = tpu.memref_slice %arg9[%dma_start3A_22, %dma_start3A_26] : memref<4x128xi32, #tpu.memory_space<vmem>> -> memref<1x128xi32, #tpu.memory_space<vmem>>
    %dma_start3A_28 = tpu.memref_squeeze %dma_start3A_27 : memref<1x128xi32, #tpu.memory_space<vmem>> -> memref<128xi32, #tpu.memory_space<vmem>>
    %dma_start3A_29 = arith.constant 0 : i32
    %dma_start3A_30 = arith.constant 0 : i32
    %dma_start3A_31 = tpu.memref_slice %arg4[%dma_start3A_29, %dma_start3A_30] : memref<1000000x32xf32, #tpu.memory_space<hbm>> -> memref<1000000x32xf32, #tpu.memory_space<hbm>>
    tpu.enqueue_indirect_dma source(%dma_start3A_31 : memref<1000000x32xf32, #tpu.memory_space<hbm>>) target(%dma_start3A_25 : memref<128x32xf32, #tpu.memory_space<vmem>>) offsets(%dma_start3A_28 : memref<128xi32, #tpu.memory_space<vmem>>) semaphore(%arg14 : memref<!tpu.dma_semaphore, #tpu.memory_space<semaphore_mem>>)
    %dma_start3A_32 = arith.constant 1 : i32
    %dma_start3A_33 = arith.constant 128 : i32
    %dma_start3A_34 = arith.constant 0 : i32
    %dma_start3A_35 = tpu.memref_slice %arg12[%dma_start3A_33, %dma_start3A_34] : memref<512x32xf32, #tpu.memory_space<vmem>> -> memref<128x32xf32, #tpu.memory_space<vmem>>
    %dma_start3A_36 = arith.constant 0 : i32
    %dma_start3A_37 = tpu.memref_slice %arg10[%dma_start3A_32, %dma_start3A_36] : memref<4x128xi32, #tpu.memory_space<vmem>> -> memref<1x128xi32, #tpu.memory_space<vmem>>
    %dma_start3A_38 = tpu.memref_squeeze %dma_start3A_37 : memref<1x128xi32, #tpu.memory_space<vmem>> -> memref<128xi32, #tpu.memory_space<vmem>>
    %dma_start3A_39 = arith.constant 0 : i32
    %dma_start3A_40 = arith.constant 0 : i32
    %dma_start3A_41 = tpu.memref_slice %arg5[%dma_start3A_39, %dma_start3A_40] : memref<1000000x32xf32, #tpu.memory_space<hbm>> -> memref<1000000x32xf32, #tpu.memory_space<hbm>>
    tpu.enqueue_indirect_dma source(%dma_start3A_41 : memref<1000000x32xf32, #tpu.memory_space<hbm>>) target(%dma_start3A_35 : memref<128x32xf32, #tpu.memory_space<vmem>>) offsets(%dma_start3A_38 : memref<128xi32, #tpu.memory_space<vmem>>) semaphore(%arg14 : memref<!tpu.dma_semaphore, #tpu.memory_space<semaphore_mem>>)
    %dma_start3A_42 = arith.constant 2 : i32
    %dma_start3A_43 = arith.constant 256 : i32
    %dma_start3A_44 = arith.constant 0 : i32
    %dma_start3A_45 = tpu.memref_slice %arg11[%dma_start3A_43, %dma_start3A_44] : memref<512x32xf32, #tpu.memory_space<vmem>> -> memref<128x32xf32, #tpu.memory_space<vmem>>
    %dma_start3A_46 = arith.constant 0 : i32
    %dma_start3A_47 = tpu.memref_slice %arg9[%dma_start3A_42, %dma_start3A_46] : memref<4x128xi32, #tpu.memory_space<vmem>> -> memref<1x128xi32, #tpu.memory_space<vmem>>
    %dma_start3A_48 = tpu.memref_squeeze %dma_start3A_47 : memref<1x128xi32, #tpu.memory_space<vmem>> -> memref<128xi32, #tpu.memory_space<vmem>>
    %dma_start3A_49 = arith.constant 0 : i32
    %dma_start3A_50 = arith.constant 0 : i32
    %dma_start3A_51 = tpu.memref_slice %arg4[%dma_start3A_49, %dma_start3A_50] : memref<1000000x32xf32, #tpu.memory_space<hbm>> -> memref<1000000x32xf32, #tpu.memory_space<hbm>>
    tpu.enqueue_indirect_dma source(%dma_start3A_51 : memref<1000000x32xf32, #tpu.memory_space<hbm>>) target(%dma_start3A_45 : memref<128x32xf32, #tpu.memory_space<vmem>>) offsets(%dma_start3A_48 : memref<128xi32, #tpu.memory_space<vmem>>) semaphore(%arg14 : memref<!tpu.dma_semaphore, #tpu.memory_space<semaphore_mem>>)
    %dma_start3A_52 = arith.constant 2 : i32
    %dma_start3A_53 = arith.constant 256 : i32
    %dma_start3A_54 = arith.constant 0 : i32
    %dma_start3A_55 = tpu.memref_slice %arg12[%dma_start3A_53, %dma_start3A_54] : memref<512x32xf32, #tpu.memory_space<vmem>> -> memref<128x32xf32, #tpu.memory_space<vmem>>
    %dma_start3A_56 = arith.constant 0 : i32
    %dma_start3A_57 = tpu.memref_slice %arg10[%dma_start3A_52, %dma_start3A_56] : memref<4x128xi32, #tpu.memory_space<vmem>> -> memref<1x128xi32, #tpu.memory_space<vmem>>
    %dma_start3A_58 = tpu.memref_squeeze %dma_start3A_57 : memref<1x128xi32, #tpu.memory_space<vmem>> -> memref<128xi32, #tpu.memory_space<vmem>>
    %dma_start3A_59 = arith.constant 0 : i32
    %dma_start3A_60 = arith.constant 0 : i32
    %dma_start3A_61 = tpu.memref_slice %arg5[%dma_start3A_59, %dma_start3A_60] : memref<1000000x32xf32, #tpu.memory_space<hbm>> -> memref<1000000x32xf32, #tpu.memory_space<hbm>>
    tpu.enqueue_indirect_dma source(%dma_start3A_61 : memref<1000000x32xf32, #tpu.memory_space<hbm>>) target(%dma_start3A_55 : memref<128x32xf32, #tpu.memory_space<vmem>>) offsets(%dma_start3A_58 : memref<128xi32, #tpu.memory_space<vmem>>) semaphore(%arg14 : memref<!tpu.dma_semaphore, #tpu.memory_space<semaphore_mem>>)
    %dma_start3A_62 = arith.constant 3 : i32
    %dma_start3A_63 = arith.constant 384 : i32
    %dma_start3A_64 = arith.constant 0 : i32
    %dma_start3A_65 = tpu.memref_slice %arg11[%dma_start3A_63, %dma_start3A_64] : memref<512x32xf32, #tpu.memory_space<vmem>> -> memref<128x32xf32, #tpu.memory_space<vmem>>
    %dma_start3A_66 = arith.constant 0 : i32
    %dma_start3A_67 = tpu.memref_slice %arg9[%dma_start3A_62, %dma_start3A_66] : memref<4x128xi32, #tpu.memory_space<vmem>> -> memref<1x128xi32, #tpu.memory_space<vmem>>
    %dma_start3A_68 = tpu.memref_squeeze %dma_start3A_67 : memref<1x128xi32, #tpu.memory_space<vmem>> -> memref<128xi32, #tpu.memory_space<vmem>>
    %dma_start3A_69 = arith.constant 0 : i32
    %dma_start3A_70 = arith.constant 0 : i32
    %dma_start3A_71 = tpu.memref_slice %arg4[%dma_start3A_69, %dma_start3A_70] : memref<1000000x32xf32, #tpu.memory_space<hbm>> -> memref<1000000x32xf32, #tpu.memory_space<hbm>>
    tpu.enqueue_indirect_dma source(%dma_start3A_71 : memref<1000000x32xf32, #tpu.memory_space<hbm>>) target(%dma_start3A_65 : memref<128x32xf32, #tpu.memory_space<vmem>>) offsets(%dma_start3A_68 : memref<128xi32, #tpu.memory_space<vmem>>) semaphore(%arg14 : memref<!tpu.dma_semaphore, #tpu.memory_space<semaphore_mem>>)
    %dma_start3A_72 = arith.constant 3 : i32
    %dma_start3A_73 = arith.constant 384 : i32
    %dma_start3A_74 = arith.constant 0 : i32
    %dma_start3A_75 = tpu.memref_slice %arg12[%dma_start3A_73, %dma_start3A_74] : memref<512x32xf32, #tpu.memory_space<vmem>> -> memref<128x32xf32, #tpu.memory_space<vmem>>
    %dma_start3A_76 = arith.constant 0 : i32
    %dma_start3A_77 = tpu.memref_slice %arg10[%dma_start3A_72, %dma_start3A_76] : memref<4x128xi32, #tpu.memory_space<vmem>> -> memref<1x128xi32, #tpu.memory_space<vmem>>
    %dma_start3A_78 = tpu.memref_squeeze %dma_start3A_77 : memref<1x128xi32, #tpu.memory_space<vmem>> -> memref<128xi32, #tpu.memory_space<vmem>>
    %dma_start3A_79 = arith.constant 0 : i32
    %dma_start3A_80 = arith.constant 0 : i32
    %dma_start3A_81 = tpu.memref_slice %arg5[%dma_start3A_79, %dma_start3A_80] : memref<1000000x32xf32, #tpu.memory_space<hbm>> -> memref<1000000x32xf32, #tpu.memory_space<hbm>>
    tpu.enqueue_indirect_dma source(%dma_start3A_81 : memref<1000000x32xf32, #tpu.memory_space<hbm>>) target(%dma_start3A_75 : memref<128x32xf32, #tpu.memory_space<vmem>>) offsets(%dma_start3A_78 : memref<128xi32, #tpu.memory_space<vmem>>) semaphore(%arg14 : memref<!tpu.dma_semaphore, #tpu.memory_space<semaphore_mem>>)
    %dma_wait3A = arith.constant 0 : i32
    %dma_wait3A_82 = arith.constant 0 : i32
    %dma_wait3A_83 = arith.constant 0 : i32
    %dma_wait3A_84 = tpu.memref_slice %arg11[%dma_wait3A_82, %dma_wait3A_83] : memref<512x32xf32, #tpu.memory_space<vmem>> -> memref<128x32xf32, #tpu.memory_space<vmem>>
    %dma_wait3A_85 = arith.constant 0 : i32
    %dma_wait3A_86 = tpu.memref_slice %arg9[%dma_wait3A, %dma_wait3A_85] : memref<4x128xi32, #tpu.memory_space<vmem>> -> memref<1x128xi32, #tpu.memory_space<vmem>>
    %dma_wait3A_87 = tpu.memref_squeeze %dma_wait3A_86 : memref<1x128xi32, #tpu.memory_space<vmem>> -> memref<128xi32, #tpu.memory_space<vmem>>
    %dma_wait3A_88 = arith.constant 0 : i32
    %dma_wait3A_89 = arith.constant 0 : i32
    %dma_wait3A_90 = tpu.memref_slice %arg4[%dma_wait3A_88, %dma_wait3A_89] : memref<1000000x32xf32, #tpu.memory_space<hbm>> -> memref<1000000x32xf32, #tpu.memory_space<hbm>>
    tpu.wait_indirect_dma semaphore(%arg14 : memref<!tpu.dma_semaphore, #tpu.memory_space<semaphore_mem>>) src(%dma_wait3A_90 : memref<1000000x32xf32, #tpu.memory_space<hbm>>) dst(%dma_wait3A_84 : memref<128x32xf32, #tpu.memory_space<vmem>>)
    %dma_wait3A_91 = arith.constant 0 : i32
    %dma_wait3A_92 = arith.constant 0 : i32
    %dma_wait3A_93 = arith.constant 0 : i32
    %dma_wait3A_94 = tpu.memref_slice %arg12[%dma_wait3A_92, %dma_wait3A_93] : memref<512x32xf32, #tpu.memory_space<vmem>> -> memref<128x32xf32, #tpu.memory_space<vmem>>
    %dma_wait3A_95 = arith.constant 0 : i32
    %dma_wait3A_96 = tpu.memref_slice %arg10[%dma_wait3A_91, %dma_wait3A_95] : memref<4x128xi32, #tpu.memory_space<vmem>> -> memref<1x128xi32, #tpu.memory_space<vmem>>
    %dma_wait3A_97 = tpu.memref_squeeze %dma_wait3A_96 : memref<1x128xi32, #tpu.memory_space<vmem>> -> memref<128xi32, #tpu.memory_space<vmem>>
    %dma_wait3A_98 = arith.constant 0 : i32
    %dma_wait3A_99 = arith.constant 0 : i32
    %dma_wait3A_100 = tpu.memref_slice %arg5[%dma_wait3A_98, %dma_wait3A_99] : memref<1000000x32xf32, #tpu.memory_space<hbm>> -> memref<1000000x32xf32, #tpu.memory_space<hbm>>
    tpu.wait_indirect_dma semaphore(%arg14 : memref<!tpu.dma_semaphore, #tpu.memory_space<semaphore_mem>>) src(%dma_wait3A_100 : memref<1000000x32xf32, #tpu.memory_space<hbm>>) dst(%dma_wait3A_94 : memref<128x32xf32, #tpu.memory_space<vmem>>)
    %dma_wait3A_101 = arith.constant 1 : i32
    %dma_wait3A_102 = arith.constant 128 : i32
    %dma_wait3A_103 = arith.constant 0 : i32
    %dma_wait3A_104 = tpu.memref_slice %arg11[%dma_wait3A_102, %dma_wait3A_103] : memref<512x32xf32, #tpu.memory_space<vmem>> -> memref<128x32xf32, #tpu.memory_space<vmem>>
    %dma_wait3A_105 = arith.constant 0 : i32
    %dma_wait3A_106 = tpu.memref_slice %arg9[%dma_wait3A_101, %dma_wait3A_105] : memref<4x128xi32, #tpu.memory_space<vmem>> -> memref<1x128xi32, #tpu.memory_space<vmem>>
    %dma_wait3A_107 = tpu.memref_squeeze %dma_wait3A_106 : memref<1x128xi32, #tpu.memory_space<vmem>> -> memref<128xi32, #tpu.memory_space<vmem>>
    %dma_wait3A_108 = arith.constant 0 : i32
    %dma_wait3A_109 = arith.constant 0 : i32
    %dma_wait3A_110 = tpu.memref_slice %arg4[%dma_wait3A_108, %dma_wait3A_109] : memref<1000000x32xf32, #tpu.memory_space<hbm>> -> memref<1000000x32xf32, #tpu.memory_space<hbm>>
    tpu.wait_indirect_dma semaphore(%arg14 : memref<!tpu.dma_semaphore, #tpu.memory_space<semaphore_mem>>) src(%dma_wait3A_110 : memref<1000000x32xf32, #tpu.memory_space<hbm>>) dst(%dma_wait3A_104 : memref<128x32xf32, #tpu.memory_space<vmem>>)
    %dma_wait3A_111 = arith.constant 1 : i32
    %dma_wait3A_112 = arith.constant 128 : i32
    %dma_wait3A_113 = arith.constant 0 : i32
    %dma_wait3A_114 = tpu.memref_slice %arg12[%dma_wait3A_112, %dma_wait3A_113] : memref<512x32xf32, #tpu.memory_space<vmem>> -> memref<128x32xf32, #tpu.memory_space<vmem>>
    %dma_wait3A_115 = arith.constant 0 : i32
    %dma_wait3A_116 = tpu.memref_slice %arg10[%dma_wait3A_111, %dma_wait3A_115] : memref<4x128xi32, #tpu.memory_space<vmem>> -> memref<1x128xi32, #tpu.memory_space<vmem>>
    %dma_wait3A_117 = tpu.memref_squeeze %dma_wait3A_116 : memref<1x128xi32, #tpu.memory_space<vmem>> -> memref<128xi32, #tpu.memory_space<vmem>>
    %dma_wait3A_118 = arith.constant 0 : i32
    %dma_wait3A_119 = arith.constant 0 : i32
    %dma_wait3A_120 = tpu.memref_slice %arg5[%dma_wait3A_118, %dma_wait3A_119] : memref<1000000x32xf32, #tpu.memory_space<hbm>> -> memref<1000000x32xf32, #tpu.memory_space<hbm>>
    tpu.wait_indirect_dma semaphore(%arg14 : memref<!tpu.dma_semaphore, #tpu.memory_space<semaphore_mem>>) src(%dma_wait3A_120 : memref<1000000x32xf32, #tpu.memory_space<hbm>>) dst(%dma_wait3A_114 : memref<128x32xf32, #tpu.memory_space<vmem>>)
    %dma_wait3A_121 = arith.constant 2 : i32
    %dma_wait3A_122 = arith.constant 256 : i32
    %dma_wait3A_123 = arith.constant 0 : i32
    %dma_wait3A_124 = tpu.memref_slice %arg11[%dma_wait3A_122, %dma_wait3A_123] : memref<512x32xf32, #tpu.memory_space<vmem>> -> memref<128x32xf32, #tpu.memory_space<vmem>>
    %dma_wait3A_125 = arith.constant 0 : i32
    %dma_wait3A_126 = tpu.memref_slice %arg9[%dma_wait3A_121, %dma_wait3A_125] : memref<4x128xi32, #tpu.memory_space<vmem>> -> memref<1x128xi32, #tpu.memory_space<vmem>>
    %dma_wait3A_127 = tpu.memref_squeeze %dma_wait3A_126 : memref<1x128xi32, #tpu.memory_space<vmem>> -> memref<128xi32, #tpu.memory_space<vmem>>
    %dma_wait3A_128 = arith.constant 0 : i32
    %dma_wait3A_129 = arith.constant 0 : i32
    %dma_wait3A_130 = tpu.memref_slice %arg4[%dma_wait3A_128, %dma_wait3A_129] : memref<1000000x32xf32, #tpu.memory_space<hbm>> -> memref<1000000x32xf32, #tpu.memory_space<hbm>>
    tpu.wait_indirect_dma semaphore(%arg14 : memref<!tpu.dma_semaphore, #tpu.memory_space<semaphore_mem>>) src(%dma_wait3A_130 : memref<1000000x32xf32, #tpu.memory_space<hbm>>) dst(%dma_wait3A_124 : memref<128x32xf32, #tpu.memory_space<vmem>>)
    %dma_wait3A_131 = arith.constant 2 : i32
    %dma_wait3A_132 = arith.constant 256 : i32
    %dma_wait3A_133 = arith.constant 0 : i32
    %dma_wait3A_134 = tpu.memref_slice %arg12[%dma_wait3A_132, %dma_wait3A_133] : memref<512x32xf32, #tpu.memory_space<vmem>> -> memref<128x32xf32, #tpu.memory_space<vmem>>
    %dma_wait3A_135 = arith.constant 0 : i32
    %dma_wait3A_136 = tpu.memref_slice %arg10[%dma_wait3A_131, %dma_wait3A_135] : memref<4x128xi32, #tpu.memory_space<vmem>> -> memref<1x128xi32, #tpu.memory_space<vmem>>
    %dma_wait3A_137 = tpu.memref_squeeze %dma_wait3A_136 : memref<1x128xi32, #tpu.memory_space<vmem>> -> memref<128xi32, #tpu.memory_space<vmem>>
    %dma_wait3A_138 = arith.constant 0 : i32
    %dma_wait3A_139 = arith.constant 0 : i32
    %dma_wait3A_140 = tpu.memref_slice %arg5[%dma_wait3A_138, %dma_wait3A_139] : memref<1000000x32xf32, #tpu.memory_space<hbm>> -> memref<1000000x32xf32, #tpu.memory_space<hbm>>
    tpu.wait_indirect_dma semaphore(%arg14 : memref<!tpu.dma_semaphore, #tpu.memory_space<semaphore_mem>>) src(%dma_wait3A_140 : memref<1000000x32xf32, #tpu.memory_space<hbm>>) dst(%dma_wait3A_134 : memref<128x32xf32, #tpu.memory_space<vmem>>)
    %dma_wait3A_141 = arith.constant 3 : i32
    %dma_wait3A_142 = arith.constant 384 : i32
    %dma_wait3A_143 = arith.constant 0 : i32
    %dma_wait3A_144 = tpu.memref_slice %arg11[%dma_wait3A_142, %dma_wait3A_143] : memref<512x32xf32, #tpu.memory_space<vmem>> -> memref<128x32xf32, #tpu.memory_space<vmem>>
    %dma_wait3A_145 = arith.constant 0 : i32
    %dma_wait3A_146 = tpu.memref_slice %arg9[%dma_wait3A_141, %dma_wait3A_145] : memref<4x128xi32, #tpu.memory_space<vmem>> -> memref<1x128xi32, #tpu.memory_space<vmem>>
    %dma_wait3A_147 = tpu.memref_squeeze %dma_wait3A_146 : memref<1x128xi32, #tpu.memory_space<vmem>> -> memref<128xi32, #tpu.memory_space<vmem>>
    %dma_wait3A_148 = arith.constant 0 : i32
    %dma_wait3A_149 = arith.constant 0 : i32
    %dma_wait3A_150 = tpu.memref_slice %arg4[%dma_wait3A_148, %dma_wait3A_149] : memref<1000000x32xf32, #tpu.memory_space<hbm>> -> memref<1000000x32xf32, #tpu.memory_space<hbm>>
    tpu.wait_indirect_dma semaphore(%arg14 : memref<!tpu.dma_semaphore, #tpu.memory_space<semaphore_mem>>) src(%dma_wait3A_150 : memref<1000000x32xf32, #tpu.memory_space<hbm>>) dst(%dma_wait3A_144 : memref<128x32xf32, #tpu.memory_space<vmem>>)
    %dma_wait3A_151 = arith.constant 3 : i32
    %dma_wait3A_152 = arith.constant 384 : i32
    %dma_wait3A_153 = arith.constant 0 : i32
    %dma_wait3A_154 = tpu.memref_slice %arg12[%dma_wait3A_152, %dma_wait3A_153] : memref<512x32xf32, #tpu.memory_space<vmem>> -> memref<128x32xf32, #tpu.memory_space<vmem>>
    %dma_wait3A_155 = arith.constant 0 : i32
    %dma_wait3A_156 = tpu.memref_slice %arg10[%dma_wait3A_151, %dma_wait3A_155] : memref<4x128xi32, #tpu.memory_space<vmem>> -> memref<1x128xi32, #tpu.memory_space<vmem>>
    %dma_wait3A_157 = tpu.memref_squeeze %dma_wait3A_156 : memref<1x128xi32, #tpu.memory_space<vmem>> -> memref<128xi32, #tpu.memory_space<vmem>>
    %dma_wait3A_158 = arith.constant 0 : i32
    %dma_wait3A_159 = arith.constant 0 : i32
    %dma_wait3A_160 = tpu.memref_slice %arg5[%dma_wait3A_158, %dma_wait3A_159] : memref<1000000x32xf32, #tpu.memory_space<hbm>> -> memref<1000000x32xf32, #tpu.memory_space<hbm>>
    tpu.wait_indirect_dma semaphore(%arg14 : memref<!tpu.dma_semaphore, #tpu.memory_space<semaphore_mem>>) src(%dma_wait3A_160 : memref<1000000x32xf32, #tpu.memory_space<hbm>>) dst(%dma_wait3A_154 : memref<128x32xf32, #tpu.memory_space<vmem>>)
    %iota3A = tpu.iota {dimensions = array<i32: 0>} : vector<16xi32>
    %eq3A = arith.constant 15 : i32
    %eq3A_161 = vector.broadcast %eq3A : i32 to vector<16xi32>
    %eq3A_162 = arith.cmpi eq, %iota3A, %eq3A_161 : vector<16xi32>
    %scan3A = arith.constant 0 : i32
    %scan3A_163 = arith.constant 0 : i32
    %scan3A_164 = arith.constant 512 : i32
    %scan3A_165 = arith.addi %scan3A_163, %scan3A_164 : i32
    %scan3A_166 = arith.constant 8 : i32
    scf.for %scan3A_168 = %scan3A_163 to %scan3A_165 step %scan3A_166  : i32 {
      %get3A = arith.index_cast %scan3A_168 : i32 to index
      %get3A_169 = arith.constant 0 : index
      %get3A_170 = tpu.vector_load %arg11[%get3A, %get3A_169] {strides = array<i32>} : memref<512x32xf32, #tpu.memory_space<vmem>>, vector<16xf32>,
      %get3A_171 = arith.index_cast %scan3A_168 : i32 to index
      %get3A_172 = arith.constant 16 : index
      %get3A_173 = tpu.vector_load %arg11[%get3A_171, %get3A_172] {strides = array<i32>} : memref<512x32xf32, #tpu.memory_space<vmem>>, vector<16xf32>,
      %get3A_174 = arith.index_cast %scan3A_168 : i32 to index
      %get3A_175 = arith.constant 0 : index
      %get3A_176 = tpu.vector_load %arg12[%get3A_174, %get3A_175] {strides = array<i32>} : memref<512x32xf32, #tpu.memory_space<vmem>>, vector<16xf32>,
      %get3A_177 = arith.index_cast %scan3A_168 : i32 to index
      %get3A_178 = arith.constant 16 : index
      %get3A_179 = tpu.vector_load %arg12[%get3A_177, %get3A_178] {strides = array<i32>} : memref<512x32xf32, #tpu.memory_space<vmem>>, vector<16xf32>,
      %mul3A_180 = arith.mulf %get3A_170, %get3A_176 : vector<16xf32>
      %mul3A_181 = arith.mulf %get3A_173, %get3A_179 : vector<16xf32>
      %add3A_182 = arith.addf %mul3A_180, %mul3A_181 : vector<16xf32>
      %broadcast_in_dim3A = arith.constant true
      %broadcast_in_dim3A_183 = vector.broadcast %broadcast_in_dim3A : i1 to vector<16xi1>
      %masked_cumsum3A = tpu.scan <sum>, %add3A_182 masked %broadcast_in_dim3A_183 : vector<16xf32>, vector<16xi1> -> vector<16xf32>
      %broadcast_in_dim3A_184 = vector.broadcast %scan3A_168 : i32 to vector<16xi32>
      tpu.vector_store_idx %arg13[%broadcast_in_dim3A_184], %masked_cumsum3A masked %eq3A_162 : memref<512xf32, #tpu.memory_space<vmem>>[vector<16xi32>], vector<16xf32>, vector<16xi1>
      %scan3A_185 = arith.constant 1 : i32
      %scan3A_186 = arith.addi %scan3A_168, %scan3A_185 : i32
      %get3A_187 = arith.index_cast %scan3A_186 : i32 to index
      %get3A_188 = arith.constant 0 : index
      %get3A_189 = tpu.vector_load %arg11[%get3A_187, %get3A_188] {strides = array<i32>} : memref<512x32xf32, #tpu.memory_space<vmem>>, vector<16xf32>,
      %get3A_190 = arith.index_cast %scan3A_186 : i32 to index
      %get3A_191 = arith.constant 16 : index
      %get3A_192 = tpu.vector_load %arg11[%get3A_190, %get3A_191] {strides = array<i32>} : memref<512x32xf32, #tpu.memory_space<vmem>>, vector<16xf32>,
      %get3A_193 = arith.index_cast %scan3A_186 : i32 to index
      %get3A_194 = arith.constant 0 : index
      %get3A_195 = tpu.vector_load %arg12[%get3A_193, %get3A_194] {strides = array<i32>} : memref<512x32xf32, #tpu.memory_space<vmem>>, vector<16xf32>,
      %get3A_196 = arith.index_cast %scan3A_186 : i32 to index
      %get3A_197 = arith.constant 16 : index
      %get3A_198 = tpu.vector_load %arg12[%get3A_196, %get3A_197] {strides = array<i32>} : memref<512x32xf32, #tpu.memory_space<vmem>>, vector<16xf32>,
      %mul3A_199 = arith.mulf %get3A_189, %get3A_195 : vector<16xf32>
      %mul3A_200 = arith.mulf %get3A_192, %get3A_198 : vector<16xf32>
      %add3A_201 = arith.addf %mul3A_199, %mul3A_200 : vector<16xf32>
      %broadcast_in_dim3A_202 = arith.constant true
      %broadcast_in_dim3A_203 = vector.broadcast %broadcast_in_dim3A_202 : i1 to vector<16xi1>
      %masked_cumsum3A_204 = tpu.scan <sum>, %add3A_201 masked %broadcast_in_dim3A_203 : vector<16xf32>, vector<16xi1> -> vector<16xf32>
      %broadcast_in_dim3A_205 = vector.broadcast %scan3A_186 : i32 to vector<16xi32>
      tpu.vector_store_idx %arg13[%broadcast_in_dim3A_205], %masked_cumsum3A_204 masked %eq3A_162 : memref<512xf32, #tpu.memory_space<vmem>>[vector<16xi32>], vector<16xf32>, vector<16xi1>
      %scan3A_206 = arith.constant 2 : i32
      %scan3A_207 = arith.addi %scan3A_168, %scan3A_206 : i32
      %get3A_208 = arith.index_cast %scan3A_207 : i32 to index
      %get3A_209 = arith.constant 0 : index
      %get3A_210 = tpu.vector_load %arg11[%get3A_208, %get3A_209] {strides = array<i32>} : memref<512x32xf32, #tpu.memory_space<vmem>>, vector<16xf32>,
      %get3A_211 = arith.index_cast %scan3A_207 : i32 to index
      %get3A_212 = arith.constant 16 : index
      %get3A_213 = tpu.vector_load %arg11[%get3A_211, %get3A_212] {strides = array<i32>} : memref<512x32xf32, #tpu.memory_space<vmem>>, vector<16xf32>,
      %get3A_214 = arith.index_cast %scan3A_207 : i32 to index
      %get3A_215 = arith.constant 0 : index
      %get3A_216 = tpu.vector_load %arg12[%get3A_214, %get3A_215] {strides = array<i32>} : memref<512x32xf32, #tpu.memory_space<vmem>>, vector<16xf32>,
      %get3A_217 = arith.index_cast %scan3A_207 : i32 to index
      %get3A_218 = arith.constant 16 : index
      %get3A_219 = tpu.vector_load %arg12[%get3A_217, %get3A_218] {strides = array<i32>} : memref<512x32xf32, #tpu.memory_space<vmem>>, vector<16xf32>,
      %mul3A_220 = arith.mulf %get3A_210, %get3A_216 : vector<16xf32>
      %mul3A_221 = arith.mulf %get3A_213, %get3A_219 : vector<16xf32>
      %add3A_222 = arith.addf %mul3A_220, %mul3A_221 : vector<16xf32>
      %broadcast_in_dim3A_223 = arith.constant true
      %broadcast_in_dim3A_224 = vector.broadcast %broadcast_in_dim3A_223 : i1 to vector<16xi1>
      %masked_cumsum3A_225 = tpu.scan <sum>, %add3A_222 masked %broadcast_in_dim3A_224 : vector<16xf32>, vector<16xi1> -> vector<16xf32>
      %broadcast_in_dim3A_226 = vector.broadcast %scan3A_207 : i32 to vector<16xi32>
      tpu.vector_store_idx %arg13[%broadcast_in_dim3A_226], %masked_cumsum3A_225 masked %eq3A_162 : memref<512xf32, #tpu.memory_space<vmem>>[vector<16xi32>], vector<16xf32>, vector<16xi1>
      %scan3A_227 = arith.constant 3 : i32
      %scan3A_228 = arith.addi %scan3A_168, %scan3A_227 : i32
      %get3A_229 = arith.index_cast %scan3A_228 : i32 to index
      %get3A_230 = arith.constant 0 : index
      %get3A_231 = tpu.vector_load %arg11[%get3A_229, %get3A_230] {strides = array<i32>} : memref<512x32xf32, #tpu.memory_space<vmem>>, vector<16xf32>,
      %get3A_232 = arith.index_cast %scan3A_228 : i32 to index
      %get3A_233 = arith.constant 16 : index
      %get3A_234 = tpu.vector_load %arg11[%get3A_232, %get3A_233] {strides = array<i32>} : memref<512x32xf32, #tpu.memory_space<vmem>>, vector<16xf32>,
      %get3A_235 = arith.index_cast %scan3A_228 : i32 to index
      %get3A_236 = arith.constant 0 : index
      %get3A_237 = tpu.vector_load %arg12[%get3A_235, %get3A_236] {strides = array<i32>} : memref<512x32xf32, #tpu.memory_space<vmem>>, vector<16xf32>,
      %get3A_238 = arith.index_cast %scan3A_228 : i32 to index
      %get3A_239 = arith.constant 16 : index
      %get3A_240 = tpu.vector_load %arg12[%get3A_238, %get3A_239] {strides = array<i32>} : memref<512x32xf32, #tpu.memory_space<vmem>>, vector<16xf32>,
      %mul3A_241 = arith.mulf %get3A_231, %get3A_237 : vector<16xf32>
      %mul3A_242 = arith.mulf %get3A_234, %get3A_240 : vector<16xf32>
      %add3A_243 = arith.addf %mul3A_241, %mul3A_242 : vector<16xf32>
      %broadcast_in_dim3A_244 = arith.constant true
      %broadcast_in_dim3A_245 = vector.broadcast %broadcast_in_dim3A_244 : i1 to vector<16xi1>
      %masked_cumsum3A_246 = tpu.scan <sum>, %add3A_243 masked %broadcast_in_dim3A_245 : vector<16xf32>, vector<16xi1> -> vector<16xf32>
      %broadcast_in_dim3A_247 = vector.broadcast %scan3A_228 : i32 to vector<16xi32>
      tpu.vector_store_idx %arg13[%broadcast_in_dim3A_247], %masked_cumsum3A_246 masked %eq3A_162 : memref<512xf32, #tpu.memory_space<vmem>>[vector<16xi32>], vector<16xf32>, vector<16xi1>
      %scan3A_248 = arith.constant 4 : i32
      %scan3A_249 = arith.addi %scan3A_168, %scan3A_248 : i32
      %get3A_250 = arith.index_cast %scan3A_249 : i32 to index
      %get3A_251 = arith.constant 0 : index
      %get3A_252 = tpu.vector_load %arg11[%get3A_250, %get3A_251] {strides = array<i32>} : memref<512x32xf32, #tpu.memory_space<vmem>>, vector<16xf32>,
      %get3A_253 = arith.index_cast %scan3A_249 : i32 to index
      %get3A_254 = arith.constant 16 : index
      %get3A_255 = tpu.vector_load %arg11[%get3A_253, %get3A_254] {strides = array<i32>} : memref<512x32xf32, #tpu.memory_space<vmem>>, vector<16xf32>,
      %get3A_256 = arith.index_cast %scan3A_249 : i32 to index
      %get3A_257 = arith.constant 0 : index
      %get3A_258 = tpu.vector_load %arg12[%get3A_256, %get3A_257] {strides = array<i32>} : memref<512x32xf32, #tpu.memory_space<vmem>>, vector<16xf32>,
      %get3A_259 = arith.index_cast %scan3A_249 : i32 to index
      %get3A_260 = arith.constant 16 : index
      %get3A_261 = tpu.vector_load %arg12[%get3A_259, %get3A_260] {strides = array<i32>} : memref<512x32xf32, #tpu.memory_space<vmem>>, vector<16xf32>,
      %mul3A_262 = arith.mulf %get3A_252, %get3A_258 : vector<16xf32>
      %mul3A_263 = arith.mulf %get3A_255, %get3A_261 : vector<16xf32>
      %add3A_264 = arith.addf %mul3A_262, %mul3A_263 : vector<16xf32>
      %broadcast_in_dim3A_265 = arith.constant true
      %broadcast_in_dim3A_266 = vector.broadcast %broadcast_in_dim3A_265 : i1 to vector<16xi1>
      %masked_cumsum3A_267 = tpu.scan <sum>, %add3A_264 masked %broadcast_in_dim3A_266 : vector<16xf32>, vector<16xi1> -> vector<16xf32>
      %broadcast_in_dim3A_268 = vector.broadcast %scan3A_249 : i32 to vector<16xi32>
      tpu.vector_store_idx %arg13[%broadcast_in_dim3A_268], %masked_cumsum3A_267 masked %eq3A_162 : memref<512xf32, #tpu.memory_space<vmem>>[vector<16xi32>], vector<16xf32>, vector<16xi1>
      %scan3A_269 = arith.constant 5 : i32
      %scan3A_270 = arith.addi %scan3A_168, %scan3A_269 : i32
      %get3A_271 = arith.index_cast %scan3A_270 : i32 to index
      %get3A_272 = arith.constant 0 : index
      %get3A_273 = tpu.vector_load %arg11[%get3A_271, %get3A_272] {strides = array<i32>} : memref<512x32xf32, #tpu.memory_space<vmem>>, vector<16xf32>,
      %get3A_274 = arith.index_cast %scan3A_270 : i32 to index
      %get3A_275 = arith.constant 16 : index
      %get3A_276 = tpu.vector_load %arg11[%get3A_274, %get3A_275] {strides = array<i32>} : memref<512x32xf32, #tpu.memory_space<vmem>>, vector<16xf32>,
      %get3A_277 = arith.index_cast %scan3A_270 : i32 to index
      %get3A_278 = arith.constant 0 : index
      %get3A_279 = tpu.vector_load %arg12[%get3A_277, %get3A_278] {strides = array<i32>} : memref<512x32xf32, #tpu.memory_space<vmem>>, vector<16xf32>,
      %get3A_280 = arith.index_cast %scan3A_270 : i32 to index
      %get3A_281 = arith.constant 16 : index
      %get3A_282 = tpu.vector_load %arg12[%get3A_280, %get3A_281] {strides = array<i32>} : memref<512x32xf32, #tpu.memory_space<vmem>>, vector<16xf32>,
      %mul3A_283 = arith.mulf %get3A_273, %get3A_279 : vector<16xf32>
      %mul3A_284 = arith.mulf %get3A_276, %get3A_282 : vector<16xf32>
      %add3A_285 = arith.addf %mul3A_283, %mul3A_284 : vector<16xf32>
      %broadcast_in_dim3A_286 = arith.constant true
      %broadcast_in_dim3A_287 = vector.broadcast %broadcast_in_dim3A_286 : i1 to vector<16xi1>
      %masked_cumsum3A_288 = tpu.scan <sum>, %add3A_285 masked %broadcast_in_dim3A_287 : vector<16xf32>, vector<16xi1> -> vector<16xf32>
      %broadcast_in_dim3A_289 = vector.broadcast %scan3A_270 : i32 to vector<16xi32>
      tpu.vector_store_idx %arg13[%broadcast_in_dim3A_289], %masked_cumsum3A_288 masked %eq3A_162 : memref<512xf32, #tpu.memory_space<vmem>>[vector<16xi32>], vector<16xf32>, vector<16xi1>
      %scan3A_290 = arith.constant 6 : i32
      %scan3A_291 = arith.addi %scan3A_168, %scan3A_290 : i32
      %get3A_292 = arith.index_cast %scan3A_291 : i32 to index
      %get3A_293 = arith.constant 0 : index
      %get3A_294 = tpu.vector_load %arg11[%get3A_292, %get3A_293] {strides = array<i32>} : memref<512x32xf32, #tpu.memory_space<vmem>>, vector<16xf32>,
      %get3A_295 = arith.index_cast %scan3A_291 : i32 to index
      %get3A_296 = arith.constant 16 : index
      %get3A_297 = tpu.vector_load %arg11[%get3A_295, %get3A_296] {strides = array<i32>} : memref<512x32xf32, #tpu.memory_space<vmem>>, vector<16xf32>,
      %get3A_298 = arith.index_cast %scan3A_291 : i32 to index
      %get3A_299 = arith.constant 0 : index
      %get3A_300 = tpu.vector_load %arg12[%get3A_298, %get3A_299] {strides = array<i32>} : memref<512x32xf32, #tpu.memory_space<vmem>>, vector<16xf32>,
      %get3A_301 = arith.index_cast %scan3A_291 : i32 to index
      %get3A_302 = arith.constant 16 : index
      %get3A_303 = tpu.vector_load %arg12[%get3A_301, %get3A_302] {strides = array<i32>} : memref<512x32xf32, #tpu.memory_space<vmem>>, vector<16xf32>,
      %mul3A_304 = arith.mulf %get3A_294, %get3A_300 : vector<16xf32>
      %mul3A_305 = arith.mulf %get3A_297, %get3A_303 : vector<16xf32>
      %add3A_306 = arith.addf %mul3A_304, %mul3A_305 : vector<16xf32>
      %broadcast_in_dim3A_307 = arith.constant true
      %broadcast_in_dim3A_308 = vector.broadcast %broadcast_in_dim3A_307 : i1 to vector<16xi1>
      %masked_cumsum3A_309 = tpu.scan <sum>, %add3A_306 masked %broadcast_in_dim3A_308 : vector<16xf32>, vector<16xi1> -> vector<16xf32>
      %broadcast_in_dim3A_310 = vector.broadcast %scan3A_291 : i32 to vector<16xi32>
      tpu.vector_store_idx %arg13[%broadcast_in_dim3A_310], %masked_cumsum3A_309 masked %eq3A_162 : memref<512xf32, #tpu.memory_space<vmem>>[vector<16xi32>], vector<16xf32>, vector<16xi1>
      %scan3A_311 = arith.constant 7 : i32
      %scan3A_312 = arith.addi %scan3A_168, %scan3A_311 : i32
      %get3A_313 = arith.index_cast %scan3A_312 : i32 to index
      %get3A_314 = arith.constant 0 : index
      %get3A_315 = tpu.vector_load %arg11[%get3A_313, %get3A_314] {strides = array<i32>} : memref<512x32xf32, #tpu.memory_space<vmem>>, vector<16xf32>,
      %get3A_316 = arith.index_cast %scan3A_312 : i32 to index
      %get3A_317 = arith.constant 16 : index
      %get3A_318 = tpu.vector_load %arg11[%get3A_316, %get3A_317] {strides = array<i32>} : memref<512x32xf32, #tpu.memory_space<vmem>>, vector<16xf32>,
      %get3A_319 = arith.index_cast %scan3A_312 : i32 to index
      %get3A_320 = arith.constant 0 : index
      %get3A_321 = tpu.vector_load %arg12[%get3A_319, %get3A_320] {strides = array<i32>} : memref<512x32xf32, #tpu.memory_space<vmem>>, vector<16xf32>,
      %get3A_322 = arith.index_cast %scan3A_312 : i32 to index
      %get3A_323 = arith.constant 16 : index
      %get3A_324 = tpu.vector_load %arg12[%get3A_322, %get3A_323] {strides = array<i32>} : memref<512x32xf32, #tpu.memory_space<vmem>>, vector<16xf32>,
      %mul3A_325 = arith.mulf %get3A_315, %get3A_321 : vector<16xf32>
      %mul3A_326 = arith.mulf %get3A_318, %get3A_324 : vector<16xf32>
      %add3A_327 = arith.addf %mul3A_325, %mul3A_326 : vector<16xf32>
      %broadcast_in_dim3A_328 = arith.constant true
      %broadcast_in_dim3A_329 = vector.broadcast %broadcast_in_dim3A_328 : i1 to vector<16xi1>
      %masked_cumsum3A_330 = tpu.scan <sum>, %add3A_327 masked %broadcast_in_dim3A_329 : vector<16xf32>, vector<16xi1> -> vector<16xf32>
      %broadcast_in_dim3A_331 = vector.broadcast %scan3A_312 : i32 to vector<16xi32>
      tpu.vector_store_idx %arg13[%broadcast_in_dim3A_331], %masked_cumsum3A_330 masked %eq3A_162 : memref<512xf32, #tpu.memory_space<vmem>>[vector<16xi32>], vector<16xf32>, vector<16xi1>
    }
    %scan3A_167 = arith.constant 512 : i32
    "tpu.region"() ({
      %run_scoped3A = tpu.sem_alloc : memref<!tpu.dma_semaphore, #tpu.memory_space<semaphore_mem>>
      %dma_start3A_168 = arith.constant 0 : i32
      %dma_start3A_169 = tpu.memref_slice %arg7[%mul3A_2, %dma_start3A_168] : memref<16384x32xf32, #tpu.memory_space<hbm>> -> memref<512x32xf32, #tpu.memory_space<hbm>>
      %dma_start3A_170 = arith.constant 0 : i32
      %dma_start3A_171 = tpu.memref_slice %arg7[%mul3A_2, %dma_start3A_170] : memref<16384x32xf32, #tpu.memory_space<hbm>> -> memref<512x32xf32, #tpu.memory_space<hbm>>
      tpu.enqueue_dma source(%arg11 : memref<512x32xf32, #tpu.memory_space<vmem>>) target(%dma_start3A_171 : memref<512x32xf32, #tpu.memory_space<hbm>>) target_semaphore(%run_scoped3A : memref<!tpu.dma_semaphore, #tpu.memory_space<semaphore_mem>>)
      %dma_wait3A_172 = arith.constant 0 : i32
      %dma_wait3A_173 = tpu.memref_slice %arg7[%mul3A_2, %dma_wait3A_172] : memref<16384x32xf32, #tpu.memory_space<hbm>> -> memref<512x32xf32, #tpu.memory_space<hbm>>
      %dma_wait3A_174 = arith.constant 0 : i32
      %dma_wait3A_175 = tpu.memref_slice %arg7[%mul3A_2, %dma_wait3A_174] : memref<16384x32xf32, #tpu.memory_space<hbm>> -> memref<512x32xf32, #tpu.memory_space<hbm>>
      tpu.wait_dma2 semaphore(%run_scoped3A : memref<!tpu.dma_semaphore, #tpu.memory_space<semaphore_mem>>) src(%arg11 : memref<512x32xf32, #tpu.memory_space<vmem>>) dst(%dma_wait3A_175 : memref<512x32xf32, #tpu.memory_space<hbm>>)
      tpu.yield
    }) : () -> ()
    "tpu.region"() ({
      %run_scoped3A = tpu.sem_alloc : memref<!tpu.dma_semaphore, #tpu.memory_space<semaphore_mem>>
      %dma_start3A_168 = arith.constant 0 : i32
      %dma_start3A_169 = tpu.memref_slice %arg8[%mul3A_2, %dma_start3A_168] : memref<16384x32xf32, #tpu.memory_space<hbm>> -> memref<512x32xf32, #tpu.memory_space<hbm>>
      %dma_start3A_170 = arith.constant 0 : i32
      %dma_start3A_171 = tpu.memref_slice %arg8[%mul3A_2, %dma_start3A_170] : memref<16384x32xf32, #tpu.memory_space<hbm>> -> memref<512x32xf32, #tpu.memory_space<hbm>>
      tpu.enqueue_dma source(%arg12 : memref<512x32xf32, #tpu.memory_space<vmem>>) target(%dma_start3A_171 : memref<512x32xf32, #tpu.memory_space<hbm>>) target_semaphore(%run_scoped3A : memref<!tpu.dma_semaphore, #tpu.memory_space<semaphore_mem>>)
      %dma_wait3A_172 = arith.constant 0 : i32
      %dma_wait3A_173 = tpu.memref_slice %arg8[%mul3A_2, %dma_wait3A_172] : memref<16384x32xf32, #tpu.memory_space<hbm>> -> memref<512x32xf32, #tpu.memory_space<hbm>>
      %dma_wait3A_174 = arith.constant 0 : i32
      %dma_wait3A_175 = tpu.memref_slice %arg8[%mul3A_2, %dma_wait3A_174] : memref<16384x32xf32, #tpu.memory_space<hbm>> -> memref<512x32xf32, #tpu.memory_space<hbm>>
      tpu.wait_dma2 semaphore(%run_scoped3A : memref<!tpu.dma_semaphore, #tpu.memory_space<semaphore_mem>>) src(%arg12 : memref<512x32xf32, #tpu.memory_space<vmem>>) dst(%dma_wait3A_175 : memref<512x32xf32, #tpu.memory_space<hbm>>)
      tpu.yield
    }) : () -> ()
    "tpu.region"() ({
      %run_scoped3A = tpu.sem_alloc : memref<!tpu.dma_semaphore, #tpu.memory_space<semaphore_mem>>
      %dma_start3A_168 = tpu.memref_slice %arg6[%mul3A_2] : memref<16384xf32, #tpu.memory_space<hbm>> -> memref<512xf32, #tpu.memory_space<hbm>>
      %dma_start3A_169 = tpu.memref_slice %arg6[%mul3A_2] : memref<16384xf32, #tpu.memory_space<hbm>> -> memref<512xf32, #tpu.memory_space<hbm>>
      tpu.enqueue_dma source(%arg13 : memref<512xf32, #tpu.memory_space<vmem>>) target(%dma_start3A_169 : memref<512xf32, #tpu.memory_space<hbm>>) target_semaphore(%run_scoped3A : memref<!tpu.dma_semaphore, #tpu.memory_space<semaphore_mem>>)
      %dma_wait3A_170 = tpu.memref_slice %arg6[%mul3A_2] : memref<16384xf32, #tpu.memory_space<hbm>> -> memref<512xf32, #tpu.memory_space<hbm>>
      %dma_wait3A_171 = tpu.memref_slice %arg6[%mul3A_2] : memref<16384xf32, #tpu.memory_space<hbm>> -> memref<512xf32, #tpu.memory_space<hbm>>
      tpu.wait_dma2 semaphore(%run_scoped3A : memref<!tpu.dma_semaphore, #tpu.memory_space<semaphore_mem>>) src(%arg13 : memref<512xf32, #tpu.memory_space<vmem>>) dst(%dma_wait3A_171 : memref<512xf32, #tpu.memory_space<hbm>>)
      tpu.yield
    }) : () -> ()
    return
  }
}

</mosaic_0001>

<sc_bundles>
// kernel: _mf.3.cloned.1.call-start
scs
__scs_entry_jumppad:
0x0: {  	(pc) =	sbr.rel $0x88, $3  }
0x1: {  	(tag) =	ssettag $0x0;
	lr =	simm.s32 $0x1  }
0x2: {  	[smem:$0x3F9D] =	sst lr;
	_ =	strace $0xD0000000  }
0x3: {  	_ = 	snop  }
0x4: {  	_ = 	snop  }
0x5: {  	_ = 	snop  }
0x6: {  	_ = 	snop  }
0x7: {  	_ = 	snop  }
__scs_overlays_trampoline_lowered:
0x8: {  	[smem:$0x3FAC] =	sst s0  }
0x9: {  	[smem:$0x3FAD] =	sst s1  }
0xa: {  	[smem:$0x3FAE] =	sst s2  }
0xb: {  	[smem:$0x3FAF] =	sst s3  }
0xc: {  	[smem:$0x3FB0] =	sst s4  }
0xd: {  	[smem:$0x3FB1] =	sst s5  }
0xe: {  	[smem:$0x3FB2] =	sst s6  }
0xf: {  	[smem:$0x3FB3] =	sst s7  }
0x10: {  	[smem:$0x3FB4] =	sst s8  }
0x11: {  	[smem:$0x3FB5] =	sst s9;
	s0 =	simm.s32 @!p0 $0x0  }
0x12: {  	s1 =	sld [smem:$0x3F9B];
	s0 =	simm.s32 @p0 $0x1  }
0x13: {  	[smem:$0x3FB6] =	sst s0;
	s0 =	simm.s32 @!p1 $0x0  }
0x14: {  	s2 =	sld [smem:$0x3F9A];
	s0 =	simm.s32 @p1 $0x1  }
0x15: {  	[smem:$0x3FB7] =	sst s0;
	s0 =	simm.s32 @!p2 $0x0  }
0x16: {  	s3 =	sld [smem:$0x3FDB];
	s0 =	simm.s32 @p2 $0x1  }
0x17: {  	s4 =	simm.s32 $0x1BF5;
	[smem:$0x3FB9] =	sst s0  }
0x18: {  	s0 =	sld [smem:$0x3F9C];
	_ =	swait.ge [sflag:s4], $0x0  }
0x19: {  	s7 =	sld [smem:$0x3F9D]  }
0x1a: {  	s8 =	sadd.s32 $0xFFFFE003, lr  }
0x1b: {  	s9 =	sadd.s32 $0xFFFFFEF7, lr;
	s5 =	simm.s32 $0xFFFFFFFF;
	p2 =	slt.u32 s8, $0xFFFFF086  }
0x1c: {  	p1 =	slt.u32 s9, $0xF7A;
	s5 =	simm.s32 @!p2 $0x0  }
0x1d: {  	s5 =	simm.s32 @p1 $0x1;
	p0 =	seq.s32 s7, s2  }
0x1e: {  	s7 =	smul.u32 @!p0 $0xF7A, s2;
	p2 =	seq.s32 @!p0 s5, $0x0  }
0x1f: {  	s9 =	smul.u32 $0xF7A, s1;
	s8 =	simm.s32 @!p0 $0x1BF5;
	p2 =	por !p2, p0  }
0x20: {  	[sflag:s8] =	ssyncset.s32 @!p0 $0xFFFFF086;
	s6 =	sadd.s32 @!p0 s3, s7;
	s7 =	simm.s32 @!p0 $0x108  }
0x21: {  	s3 =	sadd.s32 s3, s9;
	s6 =	sadd.s32 @!p0 $0x88, s6;
	s7 =	simm.s32 @p2 $0x1082  }
0x22: {  	[simem:s7], [sflag:s8] =	dma.local @!p0 [hbm:s6], $0xF7A  }
0x23: {  	s9 =	sor.u32 $0xD0000000, s2;
	s6 =	simm.s32 $0x108;
	_ =	swait.ge @!p0 [sflag:s8], $0x0  }
0x24: {  	s3 =	sadd.s32 $0x88, s3;
	s6 =	simm.s32 @!p1 $0x1082;
	[sflag:s4] =	ssyncset.s32 $0xFFFFF086  }
0x25: {  	[simem:s6], [sflag:s4] =	dma.local [hbm:s3], $0xF7A  }
0x26: {  	[smem:$0x3F9D] =	sst s1;
	(tag) =	ssettag s2;
	_ =	strace s9  }
0x27: {  	s1 =	sld [smem:$0x3FAD]  }
0x28: {  	s2 =	sld [smem:$0x3FAE]  }
0x29: {  	s4 =	sld [smem:$0x3FB0]  }
0x2a: {  	p0 =	seq.s32 s5, $0x0;
	s5 =	sld [smem:$0x3FB1]  }
0x2b: {  	s6 =	sld [smem:$0x3FB2]  }
0x2c: {  	s7 =	sld [smem:$0x3FB3]  }
0x2d: {  	s3 =	simm.s32 $0x108;
	s8 =	sld [smem:$0x3FB4]  }
0x2e: {  	s3 =	simm.s32 @!p0 $0x1082;
	s9 =	sld [smem:$0x3FB5]  }
0x2f: {  	lr =	sadd.s32 s0, s3;
	s0 =	sld [smem:$0x3FAC]  }
0x30: {  	s3 =	sld [smem:$0x3FAF]  }
0x31: {  	[smem:$0x3FB8] =	sst s10  }
0x32: {  	s10 =	sld [smem:$0x3FB6];
	_ =	sdelay $0x3  }
0x33: {  	p0 =	seq.s32 s10, $0x1;
	s10 =	sld [smem:$0x3FB8];
	_ =	sdelay $0x3  }
0x34: {  	[smem:$0x3FB8] =	sst s10  }
0x35: {  	s10 =	sld [smem:$0x3FB7];
	_ =	sdelay $0x3  }
0x36: {  	p1 =	seq.s32 s10, $0x1;
	s10 =	sld [smem:$0x3FB8];
	_ =	sdelay $0x3  }
0x37: {  	[smem:$0x3FB8] =	sst s10  }
0x38: {  	s10 =	sld [smem:$0x3FB9]  }
0x39: {  	_ = 	snop;
	(pc) =	sbr.ind lr, $3  }
0x3a: {  	_ = 	snop  }
0x3b: {  	_ = 	snop  }
0x3c: {  	p2 =	seq.s32 s10, $0x1;
	s10 =	sld [smem:$0x3FB8]  }
0x3d: {  	_ =	shalt  }
0x3e: {  	_ =	shalt  }
0x3f: {  	_ =	shalt  }
0x40: {  	_ =	shalt  }
0x41: {  	_ =	shalt  }
0x42: {  	_ =	shalt  }
0x43: {  	_ =	shalt  }
0x44: {  	_ =	shalt  }
0x45: {  	_ =	shalt  }
0x46: {  	_ =	shalt  }
0x47: {  	_ =	shalt  }
0x48: {  	_ =	shalt  }
0x49: {  	_ =	shalt  }
0x4a: {  	_ =	shalt  }
0x4b: {  	_ =	shalt  }
0x4c: {  	_ =	shalt  }
0x4d: {  	_ =	shalt  }
0x4e: {  	_ =	shalt  }
0x4f: {  	_ =	shalt  }
0x50: {  	_ =	shalt  }
0x51: {  	_ =	shalt  }
0x52: {  	_ =	shalt  }
0x53: {  	_ =	shalt  }
0x54: {  	_ =	shalt  }
0x55: {  	_ =	shalt  }
0x56: {  	_ =	shalt  }
0x57: {  	_ =	shalt  }
0x58: {  	_ =	shalt  }
0x59: {  	_ =	shalt  }
0x5a: {  	_ =	shalt  }
0x5b: {  	_ =	shalt  }
0x5c: {  	_ =	shalt  }
0x5d: {  	_ =	shalt  }
0x5e: {  	_ =	shalt  }
0x5f: {  	_ =	shalt  }
0x60: {  	_ =	shalt  }
0x61: {  	_ =	shalt  }
0x62: {  	_ =	shalt  }
0x63: {  	_ =	shalt  }
0x64: {  	_ =	shalt  }
0x65: {  	_ =	shalt  }
0x66: {  	_ =	shalt  }
0x67: {  	_ =	shalt  }
0x68: {  	_ =	shalt  }
0x69: {  	_ =	shalt  }
0x6a: {  	_ =	shalt  }
0x6b: {  	_ =	shalt  }
0x6c: {  	_ =	shalt  }
0x6d: {  	_ =	shalt  }
0x6e: {  	_ =	shalt  }
0x6f: {  	_ =	shalt  }
0x70: {  	_ =	shalt  }
0x71: {  	_ =	shalt  }
0x72: {  	_ =	shalt  }
0x73: {  	_ =	shalt  }
0x74: {  	_ =	shalt  }
0x75: {  	_ =	shalt  }
0x76: {  	_ =	shalt  }
0x77: {  	_ =	shalt  }
0x78: {  	_ =	shalt  }
0x79: {  	_ =	shalt  }
0x7a: {  	_ =	shalt  }
0x7b: {  	_ =	shalt  }
0x7c: {  	_ =	shalt  }
0x7d: {  	_ =	shalt  }
0x7e: {  	_ =	shalt  }
0x7f: {  	_ =	shalt  }
0x80: {  	_ =	shalt  }
0x81: {  	_ =	shalt  }
0x82: {  	_ =	shalt  }
0x83: {  	_ =	shalt  }
0x84: {  	_ =	shalt  }
0x85: {  	_ =	shalt  }
0x86: {  	_ =	shalt  }
0x87: {  	_ =	shalt  }
.Lfunc_end0:
.L_simem_size_0:
called_computation_lowered:
.L_overlay_start_0:
0x88: {  	s2 =	sld [smem:$0x3FD9]  }
0x89: {  	s3 =	sld [smem:$0x3FFE];
	_ =	sdelay $0x1  }
0x8a: {  	s1 =	srdreg.scid  }
0x8b: {  	s0 =	sand.u32 $0x1, s1  }
0x8c: {  	s14 =	sshll.u32 s0, $0xA;
	s2 =	sadd.s32 s3, s2  }
0x8d: {  	s2 =	sadd.s32 s2, s14  }
0x8e: {  	[smem:$0x3FC4] =	sst s2  }
0x8f: {  	_ = 	snop  }
0x90: {  	s2 =	sld [smem:$0x3FD0];
	_ =	sdelay $0x1  }
0x91: {  	s15 =	sld [smem:$0x3FC9]  }
0x92: {  	s5 =	simm.s32 $0xA;
	s6 =	simm.s32 $0x10;
	s4 =	sld [smem:$0x3FC8]  }
0x93: {  	[smem:s6], [sflag:s5] =	dma.local [hbm:s2], $0x1  }
0x94: {  	_ =	swait.eq [sflag:s5], $0x1  }
0x95: {  	[sflag:s5] =	ssyncset.done $0x0  }
0x96: {  	s16 =	sld [smem:$0x10];
	[sflag:s5] =	ssyncadd.s32 $0xFFFFFFFF  }
0x97: {  	s17 =	sld [smem:$0x12];
	(tm) =	ssettm $0x1  }
0x98: {  	s18 =	sld [smem:$0x3FFB];
	_ =	sdelay $0x3  }
0x99: {  	_ =	strace s18  }
0x9a: {  	s6 =	sld [smem:$0x3FFC];
	_ =	sdelay $0x3  }
0x9b: {  	_ =	strace s6  }
0x9c: {  	s6 =	sld [smem:$0x3FFD];
	_ =	sdelay $0x3  }
0x9d: {  	_ =	strace s6  }
0x9e: {  	_ =	strace $0x8FFFFFFF  }
0x9f: {  	s19 =	sld [smem:$0x3FDB];
	_ =	sdelay $0x1  }
0xa0: {  	s7 =	simm.s32 $_scs_section_size  }
0xa1: {  	s8 =	simm.s32 $_size__tile_overlayer_lowered;
	s9 =	simm.s32 $_tile_overlayer_lowered  }
0xa2: {  	s22 =	simm.s32 $0x1BFF;
	s21 =	sshll.u32 s9, $0x1;
	s6 =	sadd.s32 s7, s19  }
0xa3: {  	s10 =	simm.s32 $0x0;
	s20 =	sshll.u32 s8, $0x1;
	s8 =	sadd.s32 s21, s6  }
0xa4: {  	[timem:s10], [sflag:s22] =	dma.local [hbm:s8], s20  }
0xa5: {  	_ =	swait.ge [sflag:s22], s20  }
0xa6: {  	s7 =	ssub.s32 $0x0, s20;
	[sflag:s22] =	ssyncset.done $0x0  }
0xa7: {  	[sflag:s22] =	ssyncadd.s32 s7;
	_ =	sdelay $0x1  }
0xa8: {  	s23 =	simm.s32 $0x1B8B  }
0xa9: {  	_ =	swait.ge [sflag:s23], $0x1  }
0xaa: {  	[sflag:s23] =	ssyncset.done $0x0  }
0xab: {  	s25 =	simm.s32 $0x1B8E;
	s24 =	sld [smem:$0x3FFE];
	[sflag:s23] =	ssyncadd.s32 $0xFFFFFFFF  }
0xac: {  	s26 =	simm.s32 $execute0_lowered;
	[smem:$0x3FD2] =	sst s25  }
0xad: {  	s8 =	sshll.u32 s26, $0x1;
	_ =	strace $0x80000046;
	[dreg:$0x1] =	wrdreg $0xFFFFFFFF  }
0xae: {  	s28 =	simm.s32 $_size_execute0_lowered;
	s6 =	sadd.s32 s6, s8;
	[dreg:$0x0] =	wrdreg $0x0  }
0xaf: {  	s8 =	sshll.u32 s28, $0x1;
	[dreg:$0x2] =	wrdreg s6  }
0xb0: {  	[dreg:$0x3] =	wrdreg s8  }
0xb1: {  	[dreg:$0x4] =	wrdreg $0xC0  }
0xb2: {  	_ =	task [dreg:s10], $0x5FFFF  }
0xb3: {  	[dreg:$0x1] =	wrdreg $0xFFFFFFFF  }
0xb4: {  	[dreg:$0x0] =	wrdreg $0x60  }
0xb5: {  	[dreg:$0x2] =	wrdreg s15  }
0xb6: {  	[dreg:$0x3] =	wrdreg s4  }
0xb7: {  	[dreg:$0x4] =	wrdreg s24  }
0xb8: {  	[dreg:$0x5] =	wrdreg s16  }
0xb9: {  	[dreg:$0x6] =	wrdreg s17  }
0xba: {  	[dreg:$0x7] =	wrdreg $0x9  }
0xbb: {  	_ =	task.clear_ibuf [dreg:s10], $0x8FFFF;
	_ =	strace $0x90000046  }
0xbc: {  	s29 =	simm.s32 $0x9;
	_ =	strace $0x80000048  }
0xbd: {  	_ =	swait.ge [sflag:s29], $0x1  }
0xbe: {  	[sflag:s29] =	ssyncadd.s32 $0xFFFFFFFF  }
0xbf: {  	_ =	strace $0x90000048  }
0xc0: {  	_ =	sfence  }
0xc1: {  	s30 =	sld [smem:$0x0];
	_ =	sdelay $0x2  }
0xc2: {  	s31 =	sshll.u32 s1, $0xD;
	s1 =	sshrl.u32 s1, $0x2  }
0xc3: {  	s3 =	sand.u32 $0x4000, s31;
	s1 =	sadd.s32 s1, s30  }
0xc4: {  	s0 =	sor.u32 s3, s0;
	s1 =	sshll.u32 s1, $0x11  }
0xc5: {  	s0 =	sor.u32 s1, s0  }
0xc6: {  	s0 =	sadd.s32 $0x8F2B, s0  }
0xc7: {  	[sflag:s0] =	ssyncadd.remote.s32 $0x1  }
0xc8: {  	_ =	sfence.sel $0xFFFF  }
0xc9: {  	[dreg:$0x0] =	wrdreg $0xFFFFFFFF;
	(pc) =	sbr.abs _section_cstart, $3  }
0xca: {  	[dreg:$0x1] =	wrdreg $0xFFFFFFFF  }
0xcb: {  	_ =	task.clear_ibuf [dreg:s10], $0x2FFFF;
	_ =	strace $0x9FFFFFFF  }
0xcc: {  	(tm) =	ssettm $0x7FFFFFFF  }
0xcd: {  	_ =	shalt  }
tec
execute0_lowered:
.L_overlay_start_1:
0x0: {  	(tag) =	ssettag $0x1  }
0x1: {  	s0 =	rddreg [dreg:$0x0]  }
0x2: {  	s1 =	rddreg [dreg:$0x1]  }
0x3: {  	s5 =	rddreg [dreg:$0x2]  }
0x4: {  	s9 =	rddreg [dreg:$0x3]  }
0x5: {  	s7 =	rddreg [dreg:$0x4];
	s2 =	simm.s32 $0x0;
	s3 =	srdreg.scid  }
0x6: {  	s4 =	stileid.u32;
	s13 =	simm.s32 $0x80;
	s14 =	simm.s32 $0x400  }
0x7: {  	s15 =	simm.s32 $0x4400;
	s20 =	simm.s32 $0x2400;
	s21 =	simm.s32 $0x300  }
0x8: {  	s22 =	simm.s32 $0x6400;
	s23 =	simm.s32 $0x180;
	s24 =	simm.s32 $0x3400  }
0x9: {  	s25 =	simm.s32 $0x380;
	s26 =	simm.s32 $0x7400;
	s28 =	simm.s32 $0x1  }
0xa: {  	s29 =	simm.s32 $0x8400;
	s30 =	simm.s32 $0x0;
	[smem:$0x7FF] =	sst s2  }
0xb: {  	s6 =	sand.u32 $0x1, s3;
	s3 =	sadd.s32 $0xF42C00, s5;
	s8 =	sshll.u32 s4, $0xA  }
0xc: {  	s4 =	sadd.s32 $0x1313600, s5;
	s10 =	sshll.u32 s6, $0x9;
	s6 =	ssub.s32 $0x2, s6  }
0xd: {  	_ =	strace $0x80000047;
	s8 =	sor.u32 s10, s8;
	s11 =	sshrl.u32 s6, $0x1  }
0xe: {  	s10 =	sshll.u32 s8, $0x2;
	s12 =	sshrl.u32 s8, $0x3;
	s11 =	ssub.s32 s6, s11  }
0xf: {  	s31 =	sadd.s32 s10, s5;
	s5 =	sadd.s32 s0, s12;
	s6 =	sadd.s32 s1, s12  }
0x10: {  	v0 =	vimm.s32 $0x0;
	vm0 =	vcmask $0x300;
	s7 =	sadd.s32 s7, s10;
	s9 =	sadd.s32 s9, s12;
	s10 =	smax.u32 s11, $0x1  }
0x11: {  	v0 =	vsel vm0, $0x3, v0;
	vm0 =	vcmask $0x3F3C;
	s11 =	simm.s32 $0x2;
	s12 =	simm.s32 $0x200;
	s8 =	sadd.s32 $0x800, s31  }
.LBB2_1:
0x12: {  	[tilespmem:s2], [sflag:$0x2] =	stream.linear.gather [hbm4b:s5+s2], $0x200, $0x38;
	[tilespmem:$0x8600] =	vst v63  }
0x13: {  	_ =	swait.ge [sflag:s11], $0x200  }
0x14: {  	[sflag:s11] =	ssyncset.done $0x0  }
0x15: {  	[sflag:s11] =	ssyncadd.s32 $0xFFFFFE00  }
0x16: {  	[tilespmem:s12], [sflag:$0x2] =	stream.linear.gather [hbm4b:s6+s2], $0x200, $0x38;
	[tilespmem:$0x8600] =	vst v63  }
0x17: {  	_ =	swait.ge [sflag:s11], $0x200  }
0x18: {  	[sflag:s11] =	ssyncset.done $0x0  }
0x19: {  	[sflag:s11] =	ssyncadd.s32 $0xFFFFFE00  }
0x1a: {  	[tilespmem:s14], [sflag:$0x1] =	stream.indirect.gather [hbm4b:s3+s13], $0x20, s2, s13, $0xb8;
	[tilespmem:$0x8600] =	vst v63  }
0x1b: {  	_ = 	snop  }
0x1c: {  	[tilespmem:s15], [sflag:$0x1] =	stream.indirect.gather [hbm4b:s4+s13], $0x20, s12, s13, $0xb8;
	[tilespmem:$0x8600] =	vst v63  }
0x1d: {  	s0 =	simm.s32 $0x1400  }
0x1e: {  	[tilespmem:s0], [sflag:$0x1] =	stream.indirect.gather [hbm4b:s3+s13], $0x20, s13, s13, $0xb8;
	[tilespmem:$0x8600] =	vst v63  }
0x1f: {  	s16 =	simm.s32 $0x280;
	s1 =	simm.s32 $0x5400  }
0x20: {  	[tilespmem:s1], [sflag:$0x1] =	stream.indirect.gather [hbm4b:s4+s13], $0x20, s16, s13, $0xb8;
	[tilespmem:$0x8600] =	vst v63  }
0x21: {  	s17 =	simm.s32 $0x100  }
0x22: {  	[tilespmem:s20], [sflag:$0x1] =	stream.indirect.gather [hbm4b:s3+s13], $0x20, s17, s13, $0xb8;
	[tilespmem:$0x8600] =	vst v63  }
0x23: {  	_ = 	snop  }
0x24: {  	[tilespmem:s22], [sflag:$0x1] =	stream.indirect.gather [hbm4b:s4+s13], $0x20, s21, s13, $0xb8;
	[tilespmem:$0x8600] =	vst v63  }
0x25: {  	_ = 	snop  }
0x26: {  	[tilespmem:s24], [sflag:$0x1] =	stream.indirect.gather [hbm4b:s3+s13], $0x20, s23, s13, $0xb8;
	[tilespmem:$0x8600] =	vst v63  }
0x27: {  	_ = 	snop  }
0x28: {  	[tilespmem:s26], [sflag:$0x1] =	stream.indirect.gather [hbm4b:s4+s13], $0x20, s25, s13, $0xb8;
	[tilespmem:$0x8600] =	vst v63  }
0x29: {  	_ =	swait.ge [sflag:s28], $0x1000  }
0x2a: {  	[sflag:s28] =	ssyncset.done $0x0  }
0x2b: {  	[sflag:s28] =	ssyncadd.s32 $0xFFFFF000  }
0x2c: {  	_ =	swait.ge [sflag:s28], $0x1000  }
0x2d: {  	[sflag:s28] =	ssyncset.done $0x0  }
0x2e: {  	[sflag:s28] =	ssyncadd.s32 $0xFFFFF000  }
0x2f: {  	_ =	swait.ge [sflag:s28], $0x1000  }
0x30: {  	[sflag:s28] =	ssyncset.done $0x0  }
0x31: {  	[sflag:s28] =	ssyncadd.s32 $0xFFFFF000  }
0x32: {  	_ =	swait.ge [sflag:s28], $0x1000  }
0x33: {  	[sflag:s28] =	ssyncset.done $0x0  }
0x34: {  	[sflag:s28] =	ssyncadd.s32 $0xFFFFF000  }
0x35: {  	_ =	swait.ge [sflag:s28], $0x1000  }
0x36: {  	[sflag:s28] =	ssyncset.done $0x0  }
0x37: {  	[sflag:s28] =	ssyncadd.s32 $0xFFFFF000  }
0x38: {  	_ =	swait.ge [sflag:s28], $0x1000  }
0x39: {  	[sflag:s28] =	ssyncset.done $0x0  }
0x3a: {  	[sflag:s28] =	ssyncadd.s32 $0xFFFFF000  }
0x3b: {  	_ =	swait.ge [sflag:s28], $0x1000  }
0x3c: {  	[sflag:s28] =	ssyncset.done $0x0  }
0x3d: {  	[sflag:s28] =	ssyncadd.s32 $0xFFFFF000  }
0x3e: {  	_ =	swait.ge [sflag:s28], $0x1000  }
0x3f: {  	[sflag:s28] =	ssyncset.done $0x0  }
0x40: {  	s31 =	simm.s32 $0x480;
	[sflag:s28] =	ssyncadd.s32 $0xFFFFF000  }
0x41: {  	s0 =	simm.s32 $0x4480;
	v1 =	vld [tilespmem:s31+$0xFFFFFF80]  }
0x42: {  	v2 =	vld [tilespmem:s0+$0xFFFFFF90]  }
0x43: {  	v3 =	vld [tilespmem:s0+$0xFFFFFF80]  }
0x44: {  	v4 =	vld [tilespmem:s31+$0xFFFFFF90];
	_ =	sdelay $0x4  }
0x45: {  	v1 =	vmul.f32 v3, v1;
	v2 =	vmul.f32 v2, v4;
	_ =	sdelay $0x1  }
0x46: {  	v1 =	vadd.f32 v2, v1;
	_ =	sdelay $0x1  }
0x47: {  	(xrf2) =	vadd.scan.msk.f32 $0xffff, v1;
	_ =	sdelay $0x1  }
0x48: {  	v1 =	vmov s2  }
0x49: {  	v1 =	vshrl.u32 v1, $0x3  }
0x4a: {  	v1 =	vshll.u32 v1, v0  }
0x4b: {  	v1 =	vbroadcast v1, $0x0;
	_ =	sdelay $0x4  }
0x4c: {  	v2, _, _ =	vpop (xrf2)  }
0x4d: {  	[tilespmem:v1+s29+$0x0] =	vst.idx.msk vm0, v2  }
0x4e: {  	v1 =	vld [tilespmem:s0+$0xFFFFFFB0]  }
0x4f: {  	v2 =	vld [tilespmem:s0+$0xFFFFFFA0]  }
0x50: {  	v3 =	vld [tilespmem:s31+$0xFFFFFFA0]  }
0x51: {  	v58 =	vld [tilespmem:s31+$0xFFFFFFB0];
	_ =	sdelay $0x4  }
0x52: {  	v2 =	vmul.f32 v2, v3;
	v1 =	vmul.f32 v1, v58;
	_ =	sdelay $0x1  }
0x53: {  	v1 =	vadd.f32 v1, v2;
	_ =	sdelay $0x1  }
0x54: {  	s18 =	simm.s32 $0x1;
	(xrf2) =	vadd.scan.msk.f32 $0xffff, v1  }
0x55: {  	v1 =	vmov s18  }
0x56: {  	v1 =	vshrl.u32 v1, $0x3  }
0x57: {  	v1 =	vshll.u32 v1, v0  }
0x58: {  	v1 =	vadd.s32 $0x1, v1  }
0x59: {  	v1 =	vbroadcast v1, $0x0;
	_ =	sdelay $0x4  }
0x5a: {  	v2, _, _ =	vpop (xrf2)  }
0x5b: {  	[tilespmem:v1+s29+$0x0] =	vst.idx.msk vm0, v2  }
0x5c: {  	v1 =	vld [tilespmem:s0+$0xFFFFFFD0]  }
0x5d: {  	v2 =	vld [tilespmem:s31+$0xFFFFFFD0]  }
0x5e: {  	v3 =	vld [tilespmem:s31+$0xFFFFFFC0]  }
0x5f: {  	v59 =	vld [tilespmem:s0+$0xFFFFFFC0];
	_ =	sdelay $0x4  }
0x60: {  	v1 =	vmul.f32 v1, v2;
	v2 =	vmul.f32 v59, v3;
	_ =	sdelay $0x1  }
0x61: {  	v1 =	vadd.f32 v1, v2;
	_ =	sdelay $0x1  }
0x62: {  	s19 =	simm.s32 $0x2;
	(xrf2) =	vadd.scan.msk.f32 $0xffff, v1  }
0x63: {  	v1 =	vmov s19  }
0x64: {  	v1 =	vshrl.u32 v1, $0x3  }
0x65: {  	v1 =	vshll.u32 v1, v0  }
0x66: {  	v1 =	vadd.s32 $0x2, v1  }
0x67: {  	v1 =	vbroadcast v1, $0x0;
	_ =	sdelay $0x4  }
0x68: {  	v2, _, _ =	vpop (xrf2)  }
0x69: {  	[tilespmem:v1+s29+$0x0] =	vst.idx.msk vm0, v2  }
0x6a: {  	v1 =	vld [tilespmem:s0+$0xFFFFFFF0]  }
0x6b: {  	v2 =	vld [tilespmem:s31+$0xFFFFFFF0]  }
0x6c: {  	v3 =	vld [tilespmem:s31+$0xFFFFFFE0]  }
0x6d: {  	v60 =	vld [tilespmem:s0+$0xFFFFFFE0];
	_ =	sdelay $0x4  }
0x6e: {  	v1 =	vmul.f32 v1, v2;
	v2 =	vmul.f32 v60, v3;
	_ =	sdelay $0x1  }
0x6f: {  	v1 =	vadd.f32 v1, v2;
	_ =	sdelay $0x1  }
0x70: {  	s16 =	simm.s32 $0x3;
	(xrf2) =	vadd.scan.msk.f32 $0xffff, v1  }
0x71: {  	v1 =	vmov s16  }
0x72: {  	v1 =	vshrl.u32 v1, $0x3  }
0x73: {  	v1 =	vshll.u32 v1, v0  }
0x74: {  	v1 =	vadd.s32 $0x3, v1  }
0x75: {  	v1 =	vbroadcast v1, $0x0;
	_ =	sdelay $0x4  }
0x76: {  	v2, _, _ =	vpop (xrf2)  }
0x77: {  	[tilespmem:v1+s29+$0x0] =	vst.idx.msk vm0, v2  }
0x78: {  	v1 =	vld [tilespmem:s0+$0x10]  }
0x79: {  	v2 =	vld [tilespmem:s31+$0x0]  }
0x7a: {  	v3 =	vld [tilespmem:s0+$0x0]  }
0x7b: {  	v61 =	vld [tilespmem:s31+$0x10];
	_ =	sdelay $0x4  }
0x7c: {  	v2 =	vmul.f32 v3, v2;
	v1 =	vmul.f32 v1, v61;
	_ =	sdelay $0x1  }
0x7d: {  	v1 =	vadd.f32 v1, v2;
	_ =	sdelay $0x1  }
0x7e: {  	s17 =	simm.s32 $0x4;
	(xrf2) =	vadd.scan.msk.f32 $0xffff, v1  }
0x7f: {  	v1 =	vmov s17  }
0x80: {  	v1 =	vshrl.u32 v1, $0x3  }
0x81: {  	v1 =	vshll.u32 v1, v0  }
0x82: {  	v1 =	vadd.s32 $0x4, v1  }
0x83: {  	v1 =	vbroadcast v1, $0x0;
	_ =	sdelay $0x4  }
0x84: {  	v2, _, _ =	vpop (xrf2)  }
0x85: {  	[tilespmem:v1+s29+$0x0] =	vst.idx.msk vm0, v2  }
0x86: {  	v1 =	vld [tilespmem:s31+$0x30]  }
0x87: {  	v2 =	vld [tilespmem:s31+$0x20]  }
0x88: {  	v3 =	vld [tilespmem:s0+$0x30]  }
0x89: {  	v62 =	vld [tilespmem:s0+$0x20];
	_ =	sdelay $0x4  }
0x8a: {  	v1 =	vmul.f32 v3, v1;
	v2 =	vmul.f32 v62, v2;
	_ =	sdelay $0x1  }
0x8b: {  	v1 =	vadd.f32 v1, v2;
	_ =	sdelay $0x1  }
0x8c: {  	s18 =	simm.s32 $0x5;
	(xrf2) =	vadd.scan.msk.f32 $0xffff, v1  }
0x8d: {  	v1 =	vmov s18  }
0x8e: {  	v1 =	vshrl.u32 v1, $0x3  }
0x8f: {  	v1 =	vshll.u32 v1, v0  }
0x90: {  	v1 =	vadd.s32 $0x5, v1  }
0x91: {  	v1 =	vbroadcast v1, $0x0;
	_ =	sdelay $0x4  }
0x92: {  	v2, _, _ =	vpop (xrf2)  }
0x93: {  	[tilespmem:v1+s29+$0x0] =	vst.idx.msk vm0, v2  }
0x94: {  	v1 =	vld [tilespmem:s0+$0x50]  }
0x95: {  	v2 =	vld [tilespmem:s31+$0x50]  }
0x96: {  	v3 =	vld [tilespmem:s31+$0x40]  }
0x97: {  	v63 =	vld [tilespmem:s0+$0x40];
	_ =	sdelay $0x4  }
0x98: {  	v1 =	vmul.f32 v1, v2;
	v2 =	vmul.f32 v63, v3;
	_ =	sdelay $0x1  }
0x99: {  	v1 =	vadd.f32 v1, v2;
	_ =	sdelay $0x1  }
0x9a: {  	s19 =	simm.s32 $0x6;
	(xrf2) =	vadd.scan.msk.f32 $0xffff, v1  }
0x9b: {  	v1 =	vmov s19  }
0x9c: {  	v1 =	vshrl.u32 v1, $0x3  }
0x9d: {  	v1 =	vshll.u32 v1, v0  }
0x9e: {  	v1 =	vadd.s32 $0x6, v1  }
0x9f: {  	v1 =	vbroadcast v1, $0x0;
	_ =	sdelay $0x4  }
0xa0: {  	v2, _, _ =	vpop (xrf2)  }
0xa1: {  	[tilespmem:v1+s29+$0x0] =	vst.idx.msk vm0, v2  }
0xa2: {  	v1 =	vld [tilespmem:s31+$0x60]  }
0xa3: {  	s1 =	simm.s32 $0x0;
	s16 =	simm.s32 $0x8;
	s17 =	simm.s32 $0x4480;
	v2 =	vld [tilespmem:s0+$0x70]  }
.LBB2_2:
0xa4: {  	p0 =	slt.u32 s16, $0x1F8;
	v3 =	vld [tilespmem:s31+$0x70];
	s0 =	sadd.s32 $0x100, s0;
	s31 =	sadd.s32 $0x100, s31  }
0xa5: {  	s18 =	smov.u32 s16;
	s16 =	sadd.s32 $0x8, s16;
	v4 =	vld [tilespmem:s17+$0x60];
	s17 =	smov.u32 s0  }
0xa6: {  	_ =	sdelay $0x2  }
0xa7: {  	v2 =	vmul.f32 v2, v3  }
0xa8: {  	v1 =	vmul.f32 v4, v1;
	_ =	sdelay $0x1  }
0xa9: {  	v1 =	vadd.f32 v2, v1  }
0xaa: {  	s19 =	sadd.s32 $0x7, s1;
	s1 =	smov.u32 s18  }
0xab: {  	v2 =	vmov s19;
	(xrf2) =	vadd.scan.msk.f32 $0xffff, v1  }
0xac: {  	v1 =	vshrl.u32 v2, $0x3  }
0xad: {  	v1 =	vshll.u32 v1, v0  }
0xae: {  	v1 =	vadd.s32 $0x7, v1  }
0xaf: {  	v1 =	vbroadcast v1, $0x0;
	_ =	sdelay $0x5  }
0xb0: {  	v2, _, _ =	vpop (xrf2)  }
0xb1: {  	[tilespmem:v1+s29+$0x0] =	vst.idx.msk vm0, v2  }
0xb2: {  	v1 =	vld [tilespmem:s31+$0xFFFFFF80]  }
0xb3: {  	v2 =	vld [tilespmem:s0+$0xFFFFFF90]  }
0xb4: {  	v3 =	vld [tilespmem:s0+$0xFFFFFF80]  }
0xb5: {  	v4 =	vld [tilespmem:s31+$0xFFFFFF90];
	_ =	sdelay $0x3  }
0xb6: {  	v1 =	vmul.f32 v3, v1  }
0xb7: {  	v2 =	vmul.f32 v2, v4;
	_ =	sdelay $0x1  }
0xb8: {  	v1 =	vadd.f32 v2, v1;
	_ =	sdelay $0x1  }
0xb9: {  	(xrf2) =	vadd.scan.msk.f32 $0xffff, v1;
	_ =	sdelay $0x1  }
0xba: {  	v1 =	vmov s1  }
0xbb: {  	v1 =	vshrl.u32 v1, $0x3  }
0xbc: {  	v1 =	vshll.u32 v1, v0  }
0xbd: {  	v1 =	vbroadcast v1, $0x0;
	_ =	sdelay $0x4  }
0xbe: {  	v2, _, _ =	vpop (xrf2)  }
0xbf: {  	[tilespmem:v1+s29+$0x0] =	vst.idx.msk vm0, v2  }
0xc0: {  	v1 =	vld [tilespmem:s0+$0xFFFFFFB0]  }
0xc1: {  	v2 =	vld [tilespmem:s0+$0xFFFFFFA0]  }
0xc2: {  	v3 =	vld [tilespmem:s31+$0xFFFFFFA0]  }
0xc3: {  	v4 =	vld [tilespmem:s31+$0xFFFFFFB0];
	_ =	sdelay $0x3  }
0xc4: {  	v2 =	vmul.f32 v2, v3  }
0xc5: {  	v1 =	vmul.f32 v1, v4;
	_ =	sdelay $0x1  }
0xc6: {  	v1 =	vadd.f32 v1, v2;
	_ =	sdelay $0x1  }
0xc7: {  	s18 =	sadd.s32 $0x1, s1;
	(xrf2) =	vadd.scan.msk.f32 $0xffff, v1  }
0xc8: {  	v1 =	vmov s18  }
0xc9: {  	v1 =	vshrl.u32 v1, $0x3  }
0xca: {  	v1 =	vshll.u32 v1, v0  }
0xcb: {  	v1 =	vadd.s32 $0x1, v1  }
0xcc: {  	v1 =	vbroadcast v1, $0x0;
	_ =	sdelay $0x4  }
0xcd: {  	v2, _, _ =	vpop (xrf2)  }
0xce: {  	[tilespmem:v1+s29+$0x0] =	vst.idx.msk vm0, v2  }
0xcf: {  	v1 =	vld [tilespmem:s0+$0xFFFFFFD0]  }
0xd0: {  	v2 =	vld [tilespmem:s31+$0xFFFFFFD0]  }
0xd1: {  	v3 =	vld [tilespmem:s31+$0xFFFFFFC0]  }
0xd2: {  	v4 =	vld [tilespmem:s0+$0xFFFFFFC0];
	_ =	sdelay $0x2  }
0xd3: {  	v1 =	vmul.f32 v1, v2;
	_ =	sdelay $0x1  }
0xd4: {  	v2 =	vmul.f32 v4, v3;
	_ =	sdelay $0x1  }
0xd5: {  	v1 =	vadd.f32 v1, v2;
	_ =	sdelay $0x1  }
0xd6: {  	s18 =	sadd.s32 $0x2, s1;
	(xrf2) =	vadd.scan.msk.f32 $0xffff, v1  }
0xd7: {  	v1 =	vmov s18  }
0xd8: {  	v1 =	vshrl.u32 v1, $0x3  }
0xd9: {  	v1 =	vshll.u32 v1, v0  }
0xda: {  	v1 =	vadd.s32 $0x2, v1  }
0xdb: {  	v1 =	vbroadcast v1, $0x0;
	_ =	sdelay $0x4  }
0xdc: {  	v2, _, _ =	vpop (xrf2)  }
0xdd: {  	[tilespmem:v1+s29+$0x0] =	vst.idx.msk vm0, v2  }
0xde: {  	v1 =	vld [tilespmem:s0+$0xFFFFFFF0]  }
0xdf: {  	v2 =	vld [tilespmem:s31+$0xFFFFFFF0]  }
0xe0: {  	v3 =	vld [tilespmem:s31+$0xFFFFFFE0]  }
0xe1: {  	v4 =	vld [tilespmem:s0+$0xFFFFFFE0];
	_ =	sdelay $0x3  }
0xe2: {  	v1 =	vmul.f32 v1, v2  }
0xe3: {  	v2 =	vmul.f32 v4, v3;
	_ =	sdelay $0x1  }
0xe4: {  	v1 =	vadd.f32 v1, v2;
	_ =	sdelay $0x1  }
0xe5: {  	s18 =	sadd.s32 $0x3, s1;
	(xrf2) =	vadd.scan.msk.f32 $0xffff, v1  }
0xe6: {  	v1 =	vmov s18  }
0xe7: {  	v1 =	vshrl.u32 v1, $0x3  }
0xe8: {  	v1 =	vshll.u32 v1, v0  }
0xe9: {  	v1 =	vadd.s32 $0x3, v1  }
0xea: {  	v1 =	vbroadcast v1, $0x0;
	_ =	sdelay $0x4  }
0xeb: {  	v2, _, _ =	vpop (xrf2)  }
0xec: {  	[tilespmem:v1+s29+$0x0] =	vst.idx.msk vm0, v2  }
0xed: {  	v1 =	vld [tilespmem:s0+$0x10]  }
0xee: {  	v2 =	vld [tilespmem:s31+$0x0]  }
0xef: {  	v3 =	vld [tilespmem:s0+$0x0]  }
0xf0: {  	v4 =	vld [tilespmem:s31+$0x10];
	_ =	sdelay $0x3  }
0xf1: {  	v2 =	vmul.f32 v3, v2  }
0xf2: {  	v1 =	vmul.f32 v1, v4;
	_ =	sdelay $0x1  }
0xf3: {  	v1 =	vadd.f32 v1, v2;
	_ =	sdelay $0x1  }
0xf4: {  	s18 =	sadd.s32 $0x4, s1;
	(xrf2) =	vadd.scan.msk.f32 $0xffff, v1  }
0xf5: {  	v1 =	vmov s18  }
0xf6: {  	v1 =	vshrl.u32 v1, $0x3  }
0xf7: {  	v1 =	vshll.u32 v1, v0  }
0xf8: {  	v1 =	vadd.s32 $0x4, v1  }
0xf9: {  	v1 =	vbroadcast v1, $0x0;
	_ =	sdelay $0x4  }
0xfa: {  	v2, _, _ =	vpop (xrf2)  }
0xfb: {  	[tilespmem:v1+s29+$0x0] =	vst.idx.msk vm0, v2  }
0xfc: {  	v1 =	vld [tilespmem:s31+$0x30]  }
0xfd: {  	v2 =	vld [tilespmem:s31+$0x20]  }
0xfe: {  	v3 =	vld [tilespmem:s0+$0x30]  }
0xff: {  	v4 =	vld [tilespmem:s0+$0x20];
	_ =	sdelay $0x3  }
0x100: {  	v1 =	vmul.f32 v3, v1  }
0x101: {  	v2 =	vmul.f32 v4, v2;
	_ =	sdelay $0x1  }
0x102: {  	v1 =	vadd.f32 v1, v2;
	_ =	sdelay $0x1  }
0x103: {  	s18 =	sadd.s32 $0x5, s1;
	(xrf2) =	vadd.scan.msk.f32 $0xffff, v1  }
0x104: {  	v1 =	vmov s18  }
0x105: {  	v1 =	vshrl.u32 v1, $0x3  }
0x106: {  	v1 =	vshll.u32 v1, v0  }
0x107: {  	v1 =	vadd.s32 $0x5, v1  }
0x108: {  	v1 =	vbroadcast v1, $0x0;
	_ =	sdelay $0x4  }
0x109: {  	v2, _, _ =	vpop (xrf2)  }
0x10a: {  	[tilespmem:v1+s29+$0x0] =	vst.idx.msk vm0, v2  }
0x10b: {  	v1 =	vld [tilespmem:s0+$0x50]  }
0x10c: {  	v2 =	vld [tilespmem:s31+$0x50]  }
0x10d: {  	v3 =	vld [tilespmem:s31+$0x40]  }
0x10e: {  	v4 =	vld [tilespmem:s0+$0x40];
	_ =	sdelay $0x2  }
0x10f: {  	v1 =	vmul.f32 v1, v2;
	_ =	sdelay $0x1  }
0x110: {  	v2 =	vmul.f32 v4, v3;
	_ =	sdelay $0x1  }
0x111: {  	v1 =	vadd.f32 v1, v2;
	_ =	sdelay $0x1  }
0x112: {  	s18 =	sadd.s32 $0x6, s1;
	(xrf2) =	vadd.scan.msk.f32 $0xffff, v1  }
0x113: {  	v1 =	vmov s18  }
0x114: {  	v1 =	vshrl.u32 v1, $0x3  }
0x115: {  	v1 =	vshll.u32 v1, v0  }
0x116: {  	v1 =	vadd.s32 $0x6, v1  }
0x117: {  	v1 =	vbroadcast v1, $0x0;
	_ =	sdelay $0x3  }
.Ltmp0:
0x118: {  	(pc) =	sbr.rel @p0 .LBB2_2-.Ltmp0, $4  }
0x119: {  	v2, _, _ =	vpop (xrf2)  }
0x11a: {  	[tilespmem:v1+s29+$0x0] =	vst.idx.msk vm0, v2  }
0x11b: {  	v1 =	vld [tilespmem:s31+$0x60]  }
0x11c: {  	v2 =	vld [tilespmem:s0+$0x70]  }
0x11d: {  	v3 =	vld [tilespmem:s31+$0x70]  }
0x11e: {  	v4 =	vld [tilespmem:s17+$0x60];
	_ =	sdelay $0x4  }
0x11f: {  	v2 =	vmul.f32 v2, v3;
	v1 =	vmul.f32 v4, v1;
	_ =	sdelay $0x1  }
0x120: {  	v1 =	vadd.f32 v2, v1;
	_ =	sdelay $0x1  }
0x121: {  	s0 =	sadd.s32 $0x7, s1;
	(xrf2) =	vadd.scan.msk.f32 $0xffff, v1  }
0x122: {  	v1 =	vmov s0  }
0x123: {  	v1 =	vshrl.u32 v1, $0x3  }
0x124: {  	v1 =	vshll.u32 v1, v0  }
0x125: {  	v1 =	vadd.s32 $0x7, v1  }
0x126: {  	v1 =	vbroadcast v1, $0x0;
	_ =	sdelay $0x4  }
0x127: {  	v2, _, _ =	vpop (xrf2)  }
0x128: {  	[tilespmem:v1+s29+$0x0] =	vst.idx.msk vm0, v2  }
0x129: {  	[hbm4b:s7+s2] =	stream.linear.scatter [tilespmem:s14], [sflag:$0x2], $0x4000, $0x38;
	[tilespmem:$0x8600] =	vst v63  }
0x12a: {  	_ =	swait.ge [sflag:s11], $0x4000  }
0x12b: {  	[sflag:s11] =	ssyncset.done $0x0  }
0x12c: {  	[sflag:s11] =	ssyncadd.s32 $0xFFFFC000  }
0x12d: {  	[hbm4b:s8+s2] =	stream.linear.scatter [tilespmem:s15], [sflag:$0x2], $0x4000, $0x38;
	[tilespmem:$0x8600] =	vst v63  }
0x12e: {  	s30 =	sadd.s32 $0x1, s30;
	_ =	swait.ge [sflag:s11], $0x4000  }
0x12f: {  	p0 =	sne.s32 s30, s10;
	[sflag:s11] =	ssyncset.done $0x0  }
.Ltmp1:
0x130: {  	[sflag:s11] =	ssyncadd.s32 $0xFFFFC000;
	(pc) =	sbr.rel @p0 .LBB2_1-.Ltmp1, $4  }
0x131: {  	[hbm4b:s9+s2] =	stream.linear.scatter [tilespmem:s29], [sflag:$0x2], $0x200, $0x38;
	[tilespmem:$0x8600] =	vst v63  }
0x132: {  	_ =	swait.ge [sflag:s11], $0x200  }
0x133: {  	[sflag:s11] =	ssyncset.done $0x0  }
0x134: {  	[sflag:s11] =	ssyncadd.s32 $0xFFFFFE00  }
0x135: {  	_ =	sfence.sel $0x180000  }
0x136: {  	[bflag:$0x0] =	sbarrier.arrive $0xFFFF  }
0x137: {  	_ =	strace $0x90000047  }
0x138: {  	s0 =	stileid.u32;
	[bflag:$0x2] =	sbarrier.arrive $0xFFFF  }
0x139: {  	p0 =	sne.s32 s0, $0x0;
	s0 =	rddreg [dreg:$0x5]  }
0x13a: {  	s0 =	sadd.s32 @!p0 $0x100000, s0  }
0x13b: {  	[sflag:s0] =	ssyncadd.tile.s32 @!p0 $0x1;
	_ =	shalt  }
.Lfunc_end2:
_tile_overlayer_lowered:
.L_overlay_start_2:
0x13c: {  	(tag) =	ssettag $0x2  }
0x13d: {  	s0 =	rddreg [dreg:$0x0];
	s2 =	stileid.u32  }
0x13e: {  	s1 =	rddreg [dreg:$0x1];
	p0 =	sne.s32 s2, $0x0  }
0x13f: {  	s3 =	rddreg [dreg:$0x2];
	[bflag:$0x3] =	sbarrier.arrive $0xFFFF;
	s2 =	simm.s32 @!p0 $0x1C02  }
0x140: {  	[timem:s3], [sflag:s2] =	dma.local @!p0 [hbm:s0], s1  }
0x141: {  	s0 =	simm.s32 @!p0 $0x2  }
0x142: {  	_ =	swait.ge @!p0 [sflag:s0], s1  }
0x143: {  	s1 =	ssub.s32 @!p0 $0x0, s1;
	[sflag:s0] =	ssyncset.done @!p0 $0x0  }
0x144: {  	[sflag:s0] =	ssyncadd.s32 @!p0 s1  }
0x145: {  	[bflag:$0x3] =	sbarrier.arrive $0xFFFF  }
0x146: {  	_ =	shalt  }

</sc_bundles>
